<compile_context>
chip_gen: v7x
topology: tpu7x:2x2x1
jax: 0.10.2.dev20260603
libtpu: 0.0.44.dev20260713+nightly
codegen_flags: <defaults>
</compile_context>

<pallas_src>
import functools

import jax
import jax.numpy as jnp
from jax import lax
from jax.experimental import pallas as pl
from jax.experimental.pallas import tpu as pltpu
from jax.experimental.pallas import tpu_sc as plsc

NUM_HEADS = 32
NUM_BUCKETS = 32
Q_LEN = 2048
K_LEN = 2048
VTAB_W = 4224
THRESHOLDS = (12, 16, 23, 32, 46, 64, 91)


def _bucket16(d):
    m = jnp.abs(d)
    large = jnp.full((16,), 8, jnp.int32)
    for t in THRESHOLDS:
        large = large + jnp.where(m >= t, 1, 0)
    half = jnp.where(m < 8, m, large)
    return jnp.where(d > 0, half + 16, half)


def _sc_table_body(w_hbm, vtab_hbm, w_v, row_v, sem):
    h = lax.axis_index("s") * 2 + lax.axis_index("c")
    pltpu.sync_copy(w_hbm, w_v)
    lane = lax.iota(jnp.int32, 16)
    h_vec = jnp.zeros((16,), jnp.int32) + h

    def build(j, _):
        d = j * 16 + lane - (Q_LEN - 1)
        row_v[pl.ds(j * 16, 16)] = plsc.load_gather(
            w_v, [_bucket16(d), h_vec]
        )
        return 0

    lax.fori_loop(0, VTAB_W // 16, build, 0)
    pltpu.sync_copy(row_v, vtab_hbm.at[h, :])


def _sc_table(W):
    return functools.partial(
        pl.kernel,
        out_type=jax.ShapeDtypeStruct((NUM_HEADS, VTAB_W), jnp.float32),
        mesh=plsc.VectorSubcoreMesh(core_axis_name="c", subcore_axis_name="s"),
        scratch_types=[
            pltpu.VMEM((NUM_HEADS, NUM_BUCKETS), jnp.float32),
            pltpu.VMEM((VTAB_W,), jnp.float32),
            pltpu.SemaphoreType.DMA,
        ],
        compiler_params=pltpu.CompilerParams(
            use_tc_tiling_on_sc=False, needs_layout_passes=False
        ),
    )(_sc_table_body)(W)


WIN_W = K_LEN + 128


BAND_LO = 1792
BAND_W = 512


def _tc_expand_body(vt_ref, o_ref):
    c15 = vt_ref[0, 0, 0]
    c31 = vt_ref[0, 0, 2 * (Q_LEN - 1)]
    vband8 = jnp.broadcast_to(vt_ref[0, :, BAND_LO : BAND_LO + BAND_W], (8, BAND_W))
    kidx = lax.broadcasted_iota(jnp.int32, (8, K_LEN), 1)

    def superblock(a, _):
        interior = jnp.logical_and(a >= 1, a <= 14)

        @pl.when(interior)
        def _fast():
            cfull = jnp.where(kidx < 128 * a, c15, c31)
            for jm in range(16):
                rows = pl.ds(pl.multiple_of(128 * a + 8 * jm, 8), 8)
                o_ref[0, 0, rows, :] = cfull
                rb = pltpu.roll(
                    vband8,
                    BAND_W - 127 + 8 * jm,
                    1,
                    stride=1,
                    stride_axis=0,
                )
                o_ref[
                    0,
                    0,
                    rows,
                    pl.ds(pl.multiple_of(128 * (a - 1), 128), 384),
                ] = rb[:, :384]

        @pl.when(jnp.logical_not(interior))
        def _edge():
            base = pl.multiple_of(8 * (240 - 16 * a), 128)
            win1 = vt_ref[0, :, pl.ds(base, WIN_W)]
            win8 = jnp.broadcast_to(win1, (8, WIN_W))
            for jm in range(16):
                sub0 = 127 - 8 * jm
                rolled = pltpu.roll(
                    win8, WIN_W - sub0, 1, stride=1, stride_axis=0
                )
                o_ref[
                    0, 0, pl.ds(pl.multiple_of(128 * a + 8 * jm, 8), 8), :
                ] = rolled[:, :K_LEN]

        return 0

    lax.fori_loop(0, Q_LEN // 128, superblock, 0)


def kernel(query_len, key_len, W):
    vtab = _sc_table(W).reshape(NUM_HEADS, 1, VTAB_W)
    return pl.pallas_call(
        _tc_expand_body,
        grid=(NUM_HEADS,),
        in_specs=[pl.BlockSpec((1, 1, VTAB_W), lambda i: (i, 0, 0))],
        out_specs=pl.BlockSpec(
            (1, 1, Q_LEN, K_LEN), lambda i: (0, i, 0, 0)
        ),
        out_shape=jax.ShapeDtypeStruct(
            (1, NUM_HEADS, Q_LEN, K_LEN), jnp.float32
        ),
        compiler_params=pltpu.CompilerParams(
            vmem_limit_bytes=100 * 1024 * 1024
        ),
    )(vtab)

# --- scband reference (transcript-rebuilt; emitter-appended) ---
"""Pipeline reference for scband-t5-relative-position-bias-12738873000015 (READ-ONLY COPY).

The authoritative reference and input builder live on the scoring server;
editing this copy changes nothing except your own understanding.
"""

import jax, jax.numpy as jnp
import numpy as np
import math

NUM_HEADS = 32
NUM_BUCKETS = 32
MAX_DISTANCE = 128
IS_DECODER = False
QUERY_LEN = 2048
KEY_LEN = 2048


def _relative_position_bucket(relative_position, bidirectional=True, num_buckets=32, max_distance=128):
    ret = jnp.zeros_like(relative_position)
    n = -relative_position
    if bidirectional:
        num_buckets //= 2
        ret = ret + (n < 0).astype(relative_position.dtype) * num_buckets
        n = jnp.abs(n)
    else:
        n = jnp.maximum(n, jnp.zeros_like(n))
    max_exact = num_buckets // 2
    is_small = n < max_exact
    # guard n=0 against log(0); torch evaluates both where-branches too, is_small masks it
    safe_n = jnp.maximum(n, 1)
    val_if_large = max_exact + (
        jnp.log(safe_n.astype(jnp.float32) / max_exact)
        / math.log(max_distance / max_exact)
        * (num_buckets - max_exact)
    ).astype(relative_position.dtype)
    val_if_large = jnp.minimum(val_if_large, jnp.full_like(n, num_buckets - 1))
    ret = ret + jnp.where(is_small, n, val_if_large)
    return ret


def setup_inputs(seed: int = 0) -> dict:
    key = jax.random.key(seed)
    # learned parameter: relative_attention_bias embedding table [num_buckets, num_heads]
    W = jax.random.normal(key, (NUM_BUCKETS, NUM_HEADS), dtype=jnp.float32) * 0.02
    return {"query_len": QUERY_LEN, "key_len": KEY_LEN, "W": W}


def reference(query_len, key_len, W):
    query_len = jnp.asarray(query_len, dtype=jnp.int32)
    key_len = jnp.asarray(key_len, dtype=jnp.int32)
    context_position = (jnp.arange(QUERY_LEN, dtype=jnp.int32) + (query_len - query_len))[:, None]
    memory_position = (jnp.arange(KEY_LEN, dtype=jnp.int32) + (key_len - key_len))[None, :]
    relative_position = memory_position - context_position
    rp_bucket = _relative_position_bucket(
        relative_position,
        bidirectional=not IS_DECODER,
        num_buckets=NUM_BUCKETS,
        max_distance=MAX_DISTANCE,
    )
    bias = jnp.take(W, rp_bucket, axis=0)  # (q, k, H)
    bias = jnp.transpose(bias, (2, 0, 1))[None]  # (1, H, q, k)
    return bias

if __name__ == "__main__":
    import jax
    _d = setup_inputs()
    print(jax.jit(kernel)(*tuple(_d.values())))

</pallas_src>

<mosaic_0001>
#map = affine_map<(d0, d1) -> (0, 0)>
module attributes {stable_mosaic.version = 14 : i64} {
  func.func @_sc_table_body(%arg0: i32, %arg1: i32, %arg2: memref<32x32xf32, #tpu.memory_space<hbm>>, %arg3: memref<32x4224xf32, #tpu.memory_space<hbm>>, %arg4: memref<32x32xf32, #tpu.memory_space<vmem>>, %arg5: memref<4224xf32, #tpu.memory_space<vmem>>, %arg6: memref<!tpu.dma_semaphore, #tpu.memory_space<semaphore_mem>>) attributes {dimension_semantics = [#tpu.dimension_semantics<core_parallel>, #tpu.dimension_semantics<subcore_parallel>], iteration_bounds = array<i64: 2, 16>, scalar_prefetch = 0 : i64, scratch_operands = 3 : i64, tpu.core_type = #tpu.core_type<sc_vector_subcore>, window_params = [{transform_indices = #map}, {transform_indices = #map}]} {
    %mul3A = arith.constant 2 : i32
    %mul3A_0 = arith.muli %arg1, %mul3A : i32
    %add3A = arith.addi %mul3A_0, %arg0 : i32
    "tpu.region"() ({
      %run_scoped3A = tpu.sem_alloc : memref<!tpu.dma_semaphore, #tpu.memory_space<semaphore_mem>>
      tpu.enqueue_dma source(%arg2 : memref<32x32xf32, #tpu.memory_space<hbm>>) target(%arg4 : memref<32x32xf32, #tpu.memory_space<vmem>>) target_semaphore(%run_scoped3A : memref<!tpu.dma_semaphore, #tpu.memory_space<semaphore_mem>>)
      tpu.wait_dma2 semaphore(%run_scoped3A : memref<!tpu.dma_semaphore, #tpu.memory_space<semaphore_mem>>) src(%arg2 : memref<32x32xf32, #tpu.memory_space<hbm>>) dst(%arg4 : memref<32x32xf32, #tpu.memory_space<vmem>>)
      tpu.yield
    }) : () -> ()
    %iota3A = tpu.iota {dimensions = array<i32: 0>} : vector<16xi32>
    %broadcast_in_dim3A = arith.constant 0 : i32
    %broadcast_in_dim3A_1 = vector.broadcast %broadcast_in_dim3A : i32 to vector<16xi32>
    %add3A_2 = vector.broadcast %add3A : i32 to vector<16xi32>
    %add3A_3 = arith.addi %broadcast_in_dim3A_1, %add3A_2 : vector<16xi32>
    %scan3A = arith.constant 0 : i32
    %scan3A_4 = arith.constant 0 : i32
    %scan3A_5 = arith.constant 264 : i32
    %scan3A_6 = arith.addi %scan3A_4, %scan3A_5 : i32
    %scan3A_7 = arith.constant 1 : i32
    %scan3A_8 = scf.for %scan3A_10 = %scan3A_4 to %scan3A_6 step %scan3A_7 iter_args(%scan3A_11 = %scan3A) -> (i32)  : i32 {
      %mul3A_12 = arith.constant 16 : i32
      %mul3A_13 = arith.muli %scan3A_10, %mul3A_12 : i32
      %add3A_14 = vector.broadcast %mul3A_13 : i32 to vector<16xi32>
      %add3A_15 = arith.addi %add3A_14, %iota3A : vector<16xi32>
      %sub3A = arith.constant 2047 : i32
      %sub3A_16 = vector.broadcast %sub3A : i32 to vector<16xi32>
      %sub3A_17 = arith.subi %add3A_15, %sub3A_16 : vector<16xi32>
      %abs3A = math.absi %sub3A_17 : vector<16xi32>
      %broadcast_in_dim3A_18 = arith.constant 8 : i32
      %broadcast_in_dim3A_19 = vector.broadcast %broadcast_in_dim3A_18 : i32 to vector<16xi32>
      %ge3A = arith.constant 12 : i32
      %ge3A_20 = vector.broadcast %ge3A : i32 to vector<16xi32>
      %ge3A_21 = arith.cmpi sge, %abs3A, %ge3A_20 : vector<16xi32>
      %jit3A = arith.constant 1 : i32
      %jit3A_22 = arith.constant 0 : i32
      %broadcast_in_dim3A_23 = vector.broadcast %jit3A : i32 to vector<16xi32>
      %broadcast_in_dim3A_24 = vector.broadcast %jit3A_22 : i32 to vector<16xi32>
      %select_n3A = arith.select %ge3A_21, %broadcast_in_dim3A_23, %broadcast_in_dim3A_24 : vector<16xi1>, vector<16xi32>
      %add3A_25 = arith.addi %broadcast_in_dim3A_19, %select_n3A : vector<16xi32>
      %ge3A_26 = arith.constant 16 : i32
      %ge3A_27 = vector.broadcast %ge3A_26 : i32 to vector<16xi32>
      %ge3A_28 = arith.cmpi sge, %abs3A, %ge3A_27 : vector<16xi32>
      %jit3A_29 = arith.constant 1 : i32
      %jit3A_30 = arith.constant 0 : i32
      %broadcast_in_dim3A_31 = vector.broadcast %jit3A_29 : i32 to vector<16xi32>
      %broadcast_in_dim3A_32 = vector.broadcast %jit3A_30 : i32 to vector<16xi32>
      %select_n3A_33 = arith.select %ge3A_28, %broadcast_in_dim3A_31, %broadcast_in_dim3A_32 : vector<16xi1>, vector<16xi32>
      %add3A_34 = arith.addi %add3A_25, %select_n3A_33 : vector<16xi32>
      %ge3A_35 = arith.constant 23 : i32
      %ge3A_36 = vector.broadcast %ge3A_35 : i32 to vector<16xi32>
      %ge3A_37 = arith.cmpi sge, %abs3A, %ge3A_36 : vector<16xi32>
      %jit3A_38 = arith.constant 1 : i32
      %jit3A_39 = arith.constant 0 : i32
      %broadcast_in_dim3A_40 = vector.broadcast %jit3A_38 : i32 to vector<16xi32>
      %broadcast_in_dim3A_41 = vector.broadcast %jit3A_39 : i32 to vector<16xi32>
      %select_n3A_42 = arith.select %ge3A_37, %broadcast_in_dim3A_40, %broadcast_in_dim3A_41 : vector<16xi1>, vector<16xi32>
      %add3A_43 = arith.addi %add3A_34, %select_n3A_42 : vector<16xi32>
      %ge3A_44 = arith.constant 32 : i32
      %ge3A_45 = vector.broadcast %ge3A_44 : i32 to vector<16xi32>
      %ge3A_46 = arith.cmpi sge, %abs3A, %ge3A_45 : vector<16xi32>
      %jit3A_47 = arith.constant 1 : i32
      %jit3A_48 = arith.constant 0 : i32
      %broadcast_in_dim3A_49 = vector.broadcast %jit3A_47 : i32 to vector<16xi32>
      %broadcast_in_dim3A_50 = vector.broadcast %jit3A_48 : i32 to vector<16xi32>
      %select_n3A_51 = arith.select %ge3A_46, %broadcast_in_dim3A_49, %broadcast_in_dim3A_50 : vector<16xi1>, vector<16xi32>
      %add3A_52 = arith.addi %add3A_43, %select_n3A_51 : vector<16xi32>
      %ge3A_53 = arith.constant 46 : i32
      %ge3A_54 = vector.broadcast %ge3A_53 : i32 to vector<16xi32>
      %ge3A_55 = arith.cmpi sge, %abs3A, %ge3A_54 : vector<16xi32>
      %jit3A_56 = arith.constant 1 : i32
      %jit3A_57 = arith.constant 0 : i32
      %broadcast_in_dim3A_58 = vector.broadcast %jit3A_56 : i32 to vector<16xi32>
      %broadcast_in_dim3A_59 = vector.broadcast %jit3A_57 : i32 to vector<16xi32>
      %select_n3A_60 = arith.select %ge3A_55, %broadcast_in_dim3A_58, %broadcast_in_dim3A_59 : vector<16xi1>, vector<16xi32>
      %add3A_61 = arith.addi %add3A_52, %select_n3A_60 : vector<16xi32>
      %ge3A_62 = arith.constant 64 : i32
      %ge3A_63 = vector.broadcast %ge3A_62 : i32 to vector<16xi32>
      %ge3A_64 = arith.cmpi sge, %abs3A, %ge3A_63 : vector<16xi32>
      %jit3A_65 = arith.constant 1 : i32
      %jit3A_66 = arith.constant 0 : i32
      %broadcast_in_dim3A_67 = vector.broadcast %jit3A_65 : i32 to vector<16xi32>
      %broadcast_in_dim3A_68 = vector.broadcast %jit3A_66 : i32 to vector<16xi32>
      %select_n3A_69 = arith.select %ge3A_64, %broadcast_in_dim3A_67, %broadcast_in_dim3A_68 : vector<16xi1>, vector<16xi32>
      %add3A_70 = arith.addi %add3A_61, %select_n3A_69 : vector<16xi32>
      %ge3A_71 = arith.constant 91 : i32
      %ge3A_72 = vector.broadcast %ge3A_71 : i32 to vector<16xi32>
      %ge3A_73 = arith.cmpi sge, %abs3A, %ge3A_72 : vector<16xi32>
      %jit3A_74 = arith.constant 1 : i32
      %jit3A_75 = arith.constant 0 : i32
      %broadcast_in_dim3A_76 = vector.broadcast %jit3A_74 : i32 to vector<16xi32>
      %broadcast_in_dim3A_77 = vector.broadcast %jit3A_75 : i32 to vector<16xi32>
      %select_n3A_78 = arith.select %ge3A_73, %broadcast_in_dim3A_76, %broadcast_in_dim3A_77 : vector<16xi1>, vector<16xi32>
      %add3A_79 = arith.addi %add3A_70, %select_n3A_78 : vector<16xi32>
      %lt3A = arith.constant 8 : i32
      %lt3A_80 = vector.broadcast %lt3A : i32 to vector<16xi32>
      %lt3A_81 = arith.cmpi slt, %abs3A, %lt3A_80 : vector<16xi32>
      %select_n3A_82 = arith.select %lt3A_81, %abs3A, %add3A_79 : vector<16xi1>, vector<16xi32>
      %gt3A = arith.constant 0 : i32
      %gt3A_83 = vector.broadcast %gt3A : i32 to vector<16xi32>
      %gt3A_84 = arith.cmpi sgt, %sub3A_17, %gt3A_83 : vector<16xi32>
      %add3A_85 = arith.constant 16 : i32
      %add3A_86 = vector.broadcast %add3A_85 : i32 to vector<16xi32>
      %add3A_87 = arith.addi %select_n3A_82, %add3A_86 : vector<16xi32>
      %select_n3A_88 = arith.select %gt3A_84, %add3A_87, %select_n3A_82 : vector<16xi1>, vector<16xi32>
      %gather3A = tpu.vector_load_idx %arg4[%select_n3A_88, %add3A_3] : memref<32x32xf32, #tpu.memory_space<vmem>>[vector<16xi32>, vector<16xi32>], vector<16xf32>,
      %mul3A_89 = arith.constant 16 : i32
      %mul3A_90 = arith.muli %scan3A_10, %mul3A_89 : i32
      %swap3A = arith.index_cast %mul3A_90 : i32 to index
      %swap3A_91 = tpu.vector_load %arg5[%swap3A] {strides = array<i32>} : memref<4224xf32, #tpu.memory_space<vmem>>, vector<16xf32>,
      tpu.vector_store %arg5[%swap3A], %gather3A {strides = array<i32>} : memref<4224xf32, #tpu.memory_space<vmem>>, vector<16xf32>,
      %scan3A_92 = arith.constant 0 : i32
      scf.yield %scan3A_92 : i32
    }
    %scan3A_9 = arith.constant 264 : i32
    "tpu.region"() ({
      %run_scoped3A = tpu.sem_alloc : memref<!tpu.dma_semaphore, #tpu.memory_space<semaphore_mem>>
      %dma_start3A = arith.constant 0 : i32
      %dma_start3A_10 = tpu.memref_slice %arg3[%add3A, %dma_start3A] : memref<32x4224xf32, #tpu.memory_space<hbm>> -> memref<1x4224xf32, #tpu.memory_space<hbm>>
      %dma_start3A_11 = tpu.memref_squeeze %dma_start3A_10 : memref<1x4224xf32, #tpu.memory_space<hbm>> -> memref<4224xf32, #tpu.memory_space<hbm>>
      %dma_start3A_12 = arith.constant 0 : i32
      %dma_start3A_13 = tpu.memref_slice %arg3[%add3A, %dma_start3A_12] : memref<32x4224xf32, #tpu.memory_space<hbm>> -> memref<1x4224xf32, #tpu.memory_space<hbm>>
      %dma_start3A_14 = tpu.memref_squeeze %dma_start3A_13 : memref<1x4224xf32, #tpu.memory_space<hbm>> -> memref<4224xf32, #tpu.memory_space<hbm>>
      tpu.enqueue_dma source(%arg5 : memref<4224xf32, #tpu.memory_space<vmem>>) target(%dma_start3A_14 : memref<4224xf32, #tpu.memory_space<hbm>>) target_semaphore(%run_scoped3A : memref<!tpu.dma_semaphore, #tpu.memory_space<semaphore_mem>>)
      %dma_wait3A = arith.constant 0 : i32
      %dma_wait3A_15 = tpu.memref_slice %arg3[%add3A, %dma_wait3A] : memref<32x4224xf32, #tpu.memory_space<hbm>> -> memref<1x4224xf32, #tpu.memory_space<hbm>>
      %dma_wait3A_16 = tpu.memref_squeeze %dma_wait3A_15 : memref<1x4224xf32, #tpu.memory_space<hbm>> -> memref<4224xf32, #tpu.memory_space<hbm>>
      %dma_wait3A_17 = arith.constant 0 : i32
      %dma_wait3A_18 = tpu.memref_slice %arg3[%add3A, %dma_wait3A_17] : memref<32x4224xf32, #tpu.memory_space<hbm>> -> memref<1x4224xf32, #tpu.memory_space<hbm>>
      %dma_wait3A_19 = tpu.memref_squeeze %dma_wait3A_18 : memref<1x4224xf32, #tpu.memory_space<hbm>> -> memref<4224xf32, #tpu.memory_space<hbm>>
      tpu.wait_dma2 semaphore(%run_scoped3A : memref<!tpu.dma_semaphore, #tpu.memory_space<semaphore_mem>>) src(%arg5 : memref<4224xf32, #tpu.memory_space<vmem>>) dst(%dma_wait3A_19 : memref<4224xf32, #tpu.memory_space<hbm>>)
      tpu.yield
    }) : () -> ()
    return
  }
}

module attributes {stable_mosaic.version = 14 : i64} {
  func.func @_tc_expand_body(%arg0: i32, %arg1: memref<1x1x4224xf32, #tpu.memory_space<vmem>>, %arg2: memref<1x1x2048x2048xf32, #tpu.memory_space<vmem>>) attributes {dimension_semantics = [#tpu.dimension_semantics<arbitrary>], iteration_bounds = array<i64: 32>, scalar_prefetch = 0 : i64, scratch_operands = 0 : i64, tpu.core_type = #tpu.core_type<tc>, window_params = [{transform_indices = @transform_0, window_bounds = array<i64: 1, 1, 4224>}, {transform_indices = @transform_1, window_bounds = array<i64: 1, 1, 2048, 2048>}]} {
    %get3A = arith.constant 0 : index
    %get3A_0 = arith.constant 0 : index
    %get3A_1 = arith.constant 0 : index
    %get3A_2 = vector.load %arg1[%get3A, %get3A_0, %get3A_1] : memref<1x1x4224xf32, #tpu.memory_space<vmem>>, vector<1x1x1xf32>
    %get3A_3 = vector.extract %get3A_2[0, 0, 0] : f32 from vector<1x1x1xf32>
    %get3A_4 = arith.constant 0 : index
    %get3A_5 = arith.constant 0 : index
    %get3A_6 = arith.constant 4094 : index
    %get3A_7 = vector.load %arg1[%get3A_4, %get3A_5, %get3A_6] : memref<1x1x4224xf32, #tpu.memory_space<vmem>>, vector<1x1x1xf32>
    %get3A_8 = vector.extract %get3A_7[0, 0, 0] : f32 from vector<1x1x1xf32>
    %get3A_9 = arith.constant 0 : index
    %get3A_10 = arith.constant 0 : index
    %get3A_11 = arith.constant 1792 : index
    %get3A_12 = vector.load %arg1[%get3A_9, %get3A_10, %get3A_11] : memref<1x1x4224xf32, #tpu.memory_space<vmem>>, vector<1x1x512xf32>
    %get3A_13 = vector.shape_cast %get3A_12 : vector<1x1x512xf32> to vector<1x512xf32>
    %broadcast_in_dim3A = vector.shape_cast %get3A_13 : vector<1x512xf32> to vector<1x512xf32>
    %broadcast_in_dim3A_14 = vector.broadcast %broadcast_in_dim3A : vector<1x512xf32> to vector<8x512xf32>
    %iota3A = tpu.iota {dimensions = array<i32: 1>} : vector<8x2048xi32>
    %scan3A = arith.constant 0 : i32
    %scan3A_15 = arith.constant 16 : i32
    %scan3A_16 = arith.addi %scan3A, %scan3A_15 : i32
    %scan3A_17 = arith.constant 1 : i32
    scf.for %scan3A_19 = %scan3A to %scan3A_16 step %scan3A_17  : i32 {
      %ge3A = arith.constant 1 : i32
      %ge3A_20 = arith.cmpi sge, %scan3A_19, %ge3A : i32
      %le3A = arith.constant 14 : i32
      %le3A_21 = arith.cmpi sle, %scan3A_19, %le3A : i32
      %and3A = arith.andi %ge3A_20, %le3A_21 : i1
      %convert_element_type3A = arith.extui %and3A : i1 to i32
      %cond3A = arith.constant 0 : i32
      %cond3A_22 = arith.cmpi ne, %convert_element_type3A, %cond3A : i32
      scf.if %cond3A_22 {
        %mul3A = arith.constant 128 : i32
        %mul3A_27 = arith.muli %mul3A, %scan3A_19 : i32
        %lt3A = vector.broadcast %mul3A_27 : i32 to vector<8x2048xi32>
        %lt3A_28 = arith.cmpi slt, %iota3A, %lt3A : vector<8x2048xi32>
        %broadcast_in_dim3A_29 = vector.broadcast %get3A_3 : f32 to vector<8x2048xf32>
        %broadcast_in_dim3A_30 = vector.broadcast %get3A_8 : f32 to vector<8x2048xf32>
        %select_n3A = arith.select %lt3A_28, %broadcast_in_dim3A_29, %broadcast_in_dim3A_30 : vector<8x2048xi1>, vector<8x2048xf32>
        %mul3A_31 = arith.constant 128 : i32
        %mul3A_32 = arith.muli %mul3A_31, %scan3A_19 : i32
        %add3A = arith.constant 0 : i32
        %add3A_33 = arith.addi %mul3A_32, %add3A : i32
        %multiple_of3A = tpu.assume_multiple %add3A_33, 8 : i32
        %swap3A = arith.constant 0 : index
        %swap3A_34 = arith.constant 0 : index
        %swap3A_35 = arith.index_cast %multiple_of3A : i32 to index
        %swap3A_36 = arith.constant 0 : index
        %swap3A_37 = vector.load %arg2[%swap3A, %swap3A_34, %swap3A_35, %swap3A_36] : memref<1x1x2048x2048xf32, #tpu.memory_space<vmem>>, vector<1x1x8x2048xf32>
        %swap3A_38 = vector.shape_cast %swap3A_37 : vector<1x1x8x2048xf32> to vector<8x2048xf32>
        %swap3A_39 = vector.shape_cast %select_n3A : vector<8x2048xf32> to vector<1x1x8x2048xf32>
        tpu.vector_store %arg2[%swap3A, %swap3A_34, %swap3A_35, %swap3A_36], %swap3A_39 {strides = array<i32>} : memref<1x1x2048x2048xf32, #tpu.memory_space<vmem>>, vector<1x1x8x2048xf32>,
        %roll3A = arith.constant 385 : i32
        %roll3A_40 = tpu.dynamic_rotate %broadcast_in_dim3A_14 by %roll3A dim 1 {stride = 1 : si32, stride_dimension = 0 : si32} : vector<8x512xf32>, i32 -> vector<8x512xf32>
        %slice3A = vector.extract_strided_slice %roll3A_40 {offsets = [0, 0], sizes = [8, 384], strides = [1, 1]} : vector<8x512xf32> to vector<8x384xf32>
        %sub3A = arith.constant 1 : i32
        %sub3A_41 = arith.subi %scan3A_19, %sub3A : i32
        %mul3A_42 = arith.constant 128 : i32
        %mul3A_43 = arith.muli %mul3A_42, %sub3A_41 : i32
        %multiple_of3A_44 = tpu.assume_multiple %mul3A_43, 128 : i32
        %swap3A_45 = arith.constant 0 : index
        %swap3A_46 = arith.constant 0 : index
        %swap3A_47 = arith.index_cast %multiple_of3A : i32 to index
        %swap3A_48 = arith.index_cast %multiple_of3A_44 : i32 to index
        %swap3A_49 = vector.load %arg2[%swap3A_45, %swap3A_46, %swap3A_47, %swap3A_48] : memref<1x1x2048x2048xf32, #tpu.memory_space<vmem>>, vector<1x1x8x384xf32>
        %swap3A_50 = vector.shape_cast %swap3A_49 : vector<1x1x8x384xf32> to vector<8x384xf32>
        %swap3A_51 = vector.shape_cast %slice3A : vector<8x384xf32> to vector<1x1x8x384xf32>
        tpu.vector_store %arg2[%swap3A_45, %swap3A_46, %swap3A_47, %swap3A_48], %swap3A_51 {strides = array<i32>} : memref<1x1x2048x2048xf32, #tpu.memory_space<vmem>>, vector<1x1x8x384xf32>,
        %mul3A_52 = arith.constant 128 : i32
        %mul3A_53 = arith.muli %mul3A_52, %scan3A_19 : i32
        %add3A_54 = arith.constant 8 : i32
        %add3A_55 = arith.addi %mul3A_53, %add3A_54 : i32
        %multiple_of3A_56 = tpu.assume_multiple %add3A_55, 8 : i32
        %swap3A_57 = arith.constant 0 : index
        %swap3A_58 = arith.constant 0 : index
        %swap3A_59 = arith.index_cast %multiple_of3A_56 : i32 to index
        %swap3A_60 = arith.constant 0 : index
        %swap3A_61 = vector.load %arg2[%swap3A_57, %swap3A_58, %swap3A_59, %swap3A_60] : memref<1x1x2048x2048xf32, #tpu.memory_space<vmem>>, vector<1x1x8x2048xf32>
        %swap3A_62 = vector.shape_cast %swap3A_61 : vector<1x1x8x2048xf32> to vector<8x2048xf32>
        %swap3A_63 = vector.shape_cast %select_n3A : vector<8x2048xf32> to vector<1x1x8x2048xf32>
        tpu.vector_store %arg2[%swap3A_57, %swap3A_58, %swap3A_59, %swap3A_60], %swap3A_63 {strides = array<i32>} : memref<1x1x2048x2048xf32, #tpu.memory_space<vmem>>, vector<1x1x8x2048xf32>,
        %roll3A_64 = arith.constant 393 : i32
        %roll3A_65 = tpu.dynamic_rotate %broadcast_in_dim3A_14 by %roll3A_64 dim 1 {stride = 1 : si32, stride_dimension = 0 : si32} : vector<8x512xf32>, i32 -> vector<8x512xf32>
        %slice3A_66 = vector.extract_strided_slice %roll3A_65 {offsets = [0, 0], sizes = [8, 384], strides = [1, 1]} : vector<8x512xf32> to vector<8x384xf32>
        %sub3A_67 = arith.constant 1 : i32
        %sub3A_68 = arith.subi %scan3A_19, %sub3A_67 : i32
        %mul3A_69 = arith.constant 128 : i32
        %mul3A_70 = arith.muli %mul3A_69, %sub3A_68 : i32
        %multiple_of3A_71 = tpu.assume_multiple %mul3A_70, 128 : i32
        %swap3A_72 = arith.constant 0 : index
        %swap3A_73 = arith.constant 0 : index
        %swap3A_74 = arith.index_cast %multiple_of3A_56 : i32 to index
        %swap3A_75 = arith.index_cast %multiple_of3A_71 : i32 to index
        %swap3A_76 = vector.load %arg2[%swap3A_72, %swap3A_73, %swap3A_74, %swap3A_75] : memref<1x1x2048x2048xf32, #tpu.memory_space<vmem>>, vector<1x1x8x384xf32>
        %swap3A_77 = vector.shape_cast %swap3A_76 : vector<1x1x8x384xf32> to vector<8x384xf32>
        %swap3A_78 = vector.shape_cast %slice3A_66 : vector<8x384xf32> to vector<1x1x8x384xf32>
        tpu.vector_store %arg2[%swap3A_72, %swap3A_73, %swap3A_74, %swap3A_75], %swap3A_78 {strides = array<i32>} : memref<1x1x2048x2048xf32, #tpu.memory_space<vmem>>, vector<1x1x8x384xf32>,
        %mul3A_79 = arith.constant 128 : i32
        %mul3A_80 = arith.muli %mul3A_79, %scan3A_19 : i32
        %add3A_81 = arith.constant 16 : i32
        %add3A_82 = arith.addi %mul3A_80, %add3A_81 : i32
        %multiple_of3A_83 = tpu.assume_multiple %add3A_82, 8 : i32
        %swap3A_84 = arith.constant 0 : index
        %swap3A_85 = arith.constant 0 : index
        %swap3A_86 = arith.index_cast %multiple_of3A_83 : i32 to index
        %swap3A_87 = arith.constant 0 : index
        %swap3A_88 = vector.load %arg2[%swap3A_84, %swap3A_85, %swap3A_86, %swap3A_87] : memref<1x1x2048x2048xf32, #tpu.memory_space<vmem>>, vector<1x1x8x2048xf32>
        %swap3A_89 = vector.shape_cast %swap3A_88 : vector<1x1x8x2048xf32> to vector<8x2048xf32>
        %swap3A_90 = vector.shape_cast %select_n3A : vector<8x2048xf32> to vector<1x1x8x2048xf32>
        tpu.vector_store %arg2[%swap3A_84, %swap3A_85, %swap3A_86, %swap3A_87], %swap3A_90 {strides = array<i32>} : memref<1x1x2048x2048xf32, #tpu.memory_space<vmem>>, vector<1x1x8x2048xf32>,
        %roll3A_91 = arith.constant 401 : i32
        %roll3A_92 = tpu.dynamic_rotate %broadcast_in_dim3A_14 by %roll3A_91 dim 1 {stride = 1 : si32, stride_dimension = 0 : si32} : vector<8x512xf32>, i32 -> vector<8x512xf32>
        %slice3A_93 = vector.extract_strided_slice %roll3A_92 {offsets = [0, 0], sizes = [8, 384], strides = [1, 1]} : vector<8x512xf32> to vector<8x384xf32>
        %sub3A_94 = arith.constant 1 : i32
        %sub3A_95 = arith.subi %scan3A_19, %sub3A_94 : i32
        %mul3A_96 = arith.constant 128 : i32
        %mul3A_97 = arith.muli %mul3A_96, %sub3A_95 : i32
        %multiple_of3A_98 = tpu.assume_multiple %mul3A_97, 128 : i32
        %swap3A_99 = arith.constant 0 : index
        %swap3A_100 = arith.constant 0 : index
        %swap3A_101 = arith.index_cast %multiple_of3A_83 : i32 to index
        %swap3A_102 = arith.index_cast %multiple_of3A_98 : i32 to index
        %swap3A_103 = vector.load %arg2[%swap3A_99, %swap3A_100, %swap3A_101, %swap3A_102] : memref<1x1x2048x2048xf32, #tpu.memory_space<vmem>>, vector<1x1x8x384xf32>
        %swap3A_104 = vector.shape_cast %swap3A_103 : vector<1x1x8x384xf32> to vector<8x384xf32>
        %swap3A_105 = vector.shape_cast %slice3A_93 : vector<8x384xf32> to vector<1x1x8x384xf32>
        tpu.vector_store %arg2[%swap3A_99, %swap3A_100, %swap3A_101, %swap3A_102], %swap3A_105 {strides = array<i32>} : memref<1x1x2048x2048xf32, #tpu.memory_space<vmem>>, vector<1x1x8x384xf32>,
        %mul3A_106 = arith.constant 128 : i32
        %mul3A_107 = arith.muli %mul3A_106, %scan3A_19 : i32
        %add3A_108 = arith.constant 24 : i32
        %add3A_109 = arith.addi %mul3A_107, %add3A_108 : i32
        %multiple_of3A_110 = tpu.assume_multiple %add3A_109, 8 : i32
        %swap3A_111 = arith.constant 0 : index
        %swap3A_112 = arith.constant 0 : index
        %swap3A_113 = arith.index_cast %multiple_of3A_110 : i32 to index
        %swap3A_114 = arith.constant 0 : index
        %swap3A_115 = vector.load %arg2[%swap3A_111, %swap3A_112, %swap3A_113, %swap3A_114] : memref<1x1x2048x2048xf32, #tpu.memory_space<vmem>>, vector<1x1x8x2048xf32>
        %swap3A_116 = vector.shape_cast %swap3A_115 : vector<1x1x8x2048xf32> to vector<8x2048xf32>
        %swap3A_117 = vector.shape_cast %select_n3A : vector<8x2048xf32> to vector<1x1x8x2048xf32>
        tpu.vector_store %arg2[%swap3A_111, %swap3A_112, %swap3A_113, %swap3A_114], %swap3A_117 {strides = array<i32>} : memref<1x1x2048x2048xf32, #tpu.memory_space<vmem>>, vector<1x1x8x2048xf32>,
        %roll3A_118 = arith.constant 409 : i32
        %roll3A_119 = tpu.dynamic_rotate %broadcast_in_dim3A_14 by %roll3A_118 dim 1 {stride = 1 : si32, stride_dimension = 0 : si32} : vector<8x512xf32>, i32 -> vector<8x512xf32>
        %slice3A_120 = vector.extract_strided_slice %roll3A_119 {offsets = [0, 0], sizes = [8, 384], strides = [1, 1]} : vector<8x512xf32> to vector<8x384xf32>
        %sub3A_121 = arith.constant 1 : i32
        %sub3A_122 = arith.subi %scan3A_19, %sub3A_121 : i32
        %mul3A_123 = arith.constant 128 : i32
        %mul3A_124 = arith.muli %mul3A_123, %sub3A_122 : i32
        %multiple_of3A_125 = tpu.assume_multiple %mul3A_124, 128 : i32
        %swap3A_126 = arith.constant 0 : index
        %swap3A_127 = arith.constant 0 : index
        %swap3A_128 = arith.index_cast %multiple_of3A_110 : i32 to index
        %swap3A_129 = arith.index_cast %multiple_of3A_125 : i32 to index
        %swap3A_130 = vector.load %arg2[%swap3A_126, %swap3A_127, %swap3A_128, %swap3A_129] : memref<1x1x2048x2048xf32, #tpu.memory_space<vmem>>, vector<1x1x8x384xf32>
        %swap3A_131 = vector.shape_cast %swap3A_130 : vector<1x1x8x384xf32> to vector<8x384xf32>
        %swap3A_132 = vector.shape_cast %slice3A_120 : vector<8x384xf32> to vector<1x1x8x384xf32>
        tpu.vector_store %arg2[%swap3A_126, %swap3A_127, %swap3A_128, %swap3A_129], %swap3A_132 {strides = array<i32>} : memref<1x1x2048x2048xf32, #tpu.memory_space<vmem>>, vector<1x1x8x384xf32>,
        %mul3A_133 = arith.constant 128 : i32
        %mul3A_134 = arith.muli %mul3A_133, %scan3A_19 : i32
        %add3A_135 = arith.constant 32 : i32
        %add3A_136 = arith.addi %mul3A_134, %add3A_135 : i32
        %multiple_of3A_137 = tpu.assume_multiple %add3A_136, 8 : i32
        %swap3A_138 = arith.constant 0 : index
        %swap3A_139 = arith.constant 0 : index
        %swap3A_140 = arith.index_cast %multiple_of3A_137 : i32 to index
        %swap3A_141 = arith.constant 0 : index
        %swap3A_142 = vector.load %arg2[%swap3A_138, %swap3A_139, %swap3A_140, %swap3A_141] : memref<1x1x2048x2048xf32, #tpu.memory_space<vmem>>, vector<1x1x8x2048xf32>
        %swap3A_143 = vector.shape_cast %swap3A_142 : vector<1x1x8x2048xf32> to vector<8x2048xf32>
        %swap3A_144 = vector.shape_cast %select_n3A : vector<8x2048xf32> to vector<1x1x8x2048xf32>
        tpu.vector_store %arg2[%swap3A_138, %swap3A_139, %swap3A_140, %swap3A_141], %swap3A_144 {strides = array<i32>} : memref<1x1x2048x2048xf32, #tpu.memory_space<vmem>>, vector<1x1x8x2048xf32>,
        %roll3A_145 = arith.constant 417 : i32
        %roll3A_146 = tpu.dynamic_rotate %broadcast_in_dim3A_14 by %roll3A_145 dim 1 {stride = 1 : si32, stride_dimension = 0 : si32} : vector<8x512xf32>, i32 -> vector<8x512xf32>
        %slice3A_147 = vector.extract_strided_slice %roll3A_146 {offsets = [0, 0], sizes = [8, 384], strides = [1, 1]} : vector<8x512xf32> to vector<8x384xf32>
        %sub3A_148 = arith.constant 1 : i32
        %sub3A_149 = arith.subi %scan3A_19, %sub3A_148 : i32
        %mul3A_150 = arith.constant 128 : i32
        %mul3A_151 = arith.muli %mul3A_150, %sub3A_149 : i32
        %multiple_of3A_152 = tpu.assume_multiple %mul3A_151, 128 : i32
        %swap3A_153 = arith.constant 0 : index
        %swap3A_154 = arith.constant 0 : index
        %swap3A_155 = arith.index_cast %multiple_of3A_137 : i32 to index
        %swap3A_156 = arith.index_cast %multiple_of3A_152 : i32 to index
        %swap3A_157 = vector.load %arg2[%swap3A_153, %swap3A_154, %swap3A_155, %swap3A_156] : memref<1x1x2048x2048xf32, #tpu.memory_space<vmem>>, vector<1x1x8x384xf32>
        %swap3A_158 = vector.shape_cast %swap3A_157 : vector<1x1x8x384xf32> to vector<8x384xf32>
        %swap3A_159 = vector.shape_cast %slice3A_147 : vector<8x384xf32> to vector<1x1x8x384xf32>
        tpu.vector_store %arg2[%swap3A_153, %swap3A_154, %swap3A_155, %swap3A_156], %swap3A_159 {strides = array<i32>} : memref<1x1x2048x2048xf32, #tpu.memory_space<vmem>>, vector<1x1x8x384xf32>,
        %mul3A_160 = arith.constant 128 : i32
        %mul3A_161 = arith.muli %mul3A_160, %scan3A_19 : i32
        %add3A_162 = arith.constant 40 : i32
        %add3A_163 = arith.addi %mul3A_161, %add3A_162 : i32
        %multiple_of3A_164 = tpu.assume_multiple %add3A_163, 8 : i32
        %swap3A_165 = arith.constant 0 : index
        %swap3A_166 = arith.constant 0 : index
        %swap3A_167 = arith.index_cast %multiple_of3A_164 : i32 to index
        %swap3A_168 = arith.constant 0 : index
        %swap3A_169 = vector.load %arg2[%swap3A_165, %swap3A_166, %swap3A_167, %swap3A_168] : memref<1x1x2048x2048xf32, #tpu.memory_space<vmem>>, vector<1x1x8x2048xf32>
        %swap3A_170 = vector.shape_cast %swap3A_169 : vector<1x1x8x2048xf32> to vector<8x2048xf32>
        %swap3A_171 = vector.shape_cast %select_n3A : vector<8x2048xf32> to vector<1x1x8x2048xf32>
        tpu.vector_store %arg2[%swap3A_165, %swap3A_166, %swap3A_167, %swap3A_168], %swap3A_171 {strides = array<i32>} : memref<1x1x2048x2048xf32, #tpu.memory_space<vmem>>, vector<1x1x8x2048xf32>,
        %roll3A_172 = arith.constant 425 : i32
        %roll3A_173 = tpu.dynamic_rotate %broadcast_in_dim3A_14 by %roll3A_172 dim 1 {stride = 1 : si32, stride_dimension = 0 : si32} : vector<8x512xf32>, i32 -> vector<8x512xf32>
        %slice3A_174 = vector.extract_strided_slice %roll3A_173 {offsets = [0, 0], sizes = [8, 384], strides = [1, 1]} : vector<8x512xf32> to vector<8x384xf32>
        %sub3A_175 = arith.constant 1 : i32
        %sub3A_176 = arith.subi %scan3A_19, %sub3A_175 : i32
        %mul3A_177 = arith.constant 128 : i32
        %mul3A_178 = arith.muli %mul3A_177, %sub3A_176 : i32
        %multiple_of3A_179 = tpu.assume_multiple %mul3A_178, 128 : i32
        %swap3A_180 = arith.constant 0 : index
        %swap3A_181 = arith.constant 0 : index
        %swap3A_182 = arith.index_cast %multiple_of3A_164 : i32 to index
        %swap3A_183 = arith.index_cast %multiple_of3A_179 : i32 to index
        %swap3A_184 = vector.load %arg2[%swap3A_180, %swap3A_181, %swap3A_182, %swap3A_183] : memref<1x1x2048x2048xf32, #tpu.memory_space<vmem>>, vector<1x1x8x384xf32>
        %swap3A_185 = vector.shape_cast %swap3A_184 : vector<1x1x8x384xf32> to vector<8x384xf32>
        %swap3A_186 = vector.shape_cast %slice3A_174 : vector<8x384xf32> to vector<1x1x8x384xf32>
        tpu.vector_store %arg2[%swap3A_180, %swap3A_181, %swap3A_182, %swap3A_183], %swap3A_186 {strides = array<i32>} : memref<1x1x2048x2048xf32, #tpu.memory_space<vmem>>, vector<1x1x8x384xf32>,
        %mul3A_187 = arith.constant 128 : i32
        %mul3A_188 = arith.muli %mul3A_187, %scan3A_19 : i32
        %add3A_189 = arith.constant 48 : i32
        %add3A_190 = arith.addi %mul3A_188, %add3A_189 : i32
        %multiple_of3A_191 = tpu.assume_multiple %add3A_190, 8 : i32
        %swap3A_192 = arith.constant 0 : index
        %swap3A_193 = arith.constant 0 : index
        %swap3A_194 = arith.index_cast %multiple_of3A_191 : i32 to index
        %swap3A_195 = arith.constant 0 : index
        %swap3A_196 = vector.load %arg2[%swap3A_192, %swap3A_193, %swap3A_194, %swap3A_195] : memref<1x1x2048x2048xf32, #tpu.memory_space<vmem>>, vector<1x1x8x2048xf32>
        %swap3A_197 = vector.shape_cast %swap3A_196 : vector<1x1x8x2048xf32> to vector<8x2048xf32>
        %swap3A_198 = vector.shape_cast %select_n3A : vector<8x2048xf32> to vector<1x1x8x2048xf32>
        tpu.vector_store %arg2[%swap3A_192, %swap3A_193, %swap3A_194, %swap3A_195], %swap3A_198 {strides = array<i32>} : memref<1x1x2048x2048xf32, #tpu.memory_space<vmem>>, vector<1x1x8x2048xf32>,
        %roll3A_199 = arith.constant 433 : i32
        %roll3A_200 = tpu.dynamic_rotate %broadcast_in_dim3A_14 by %roll3A_199 dim 1 {stride = 1 : si32, stride_dimension = 0 : si32} : vector<8x512xf32>, i32 -> vector<8x512xf32>
        %slice3A_201 = vector.extract_strided_slice %roll3A_200 {offsets = [0, 0], sizes = [8, 384], strides = [1, 1]} : vector<8x512xf32> to vector<8x384xf32>
        %sub3A_202 = arith.constant 1 : i32
        %sub3A_203 = arith.subi %scan3A_19, %sub3A_202 : i32
        %mul3A_204 = arith.constant 128 : i32
        %mul3A_205 = arith.muli %mul3A_204, %sub3A_203 : i32
        %multiple_of3A_206 = tpu.assume_multiple %mul3A_205, 128 : i32
        %swap3A_207 = arith.constant 0 : index
        %swap3A_208 = arith.constant 0 : index
        %swap3A_209 = arith.index_cast %multiple_of3A_191 : i32 to index
        %swap3A_210 = arith.index_cast %multiple_of3A_206 : i32 to index
        %swap3A_211 = vector.load %arg2[%swap3A_207, %swap3A_208, %swap3A_209, %swap3A_210] : memref<1x1x2048x2048xf32, #tpu.memory_space<vmem>>, vector<1x1x8x384xf32>
        %swap3A_212 = vector.shape_cast %swap3A_211 : vector<1x1x8x384xf32> to vector<8x384xf32>
        %swap3A_213 = vector.shape_cast %slice3A_201 : vector<8x384xf32> to vector<1x1x8x384xf32>
        tpu.vector_store %arg2[%swap3A_207, %swap3A_208, %swap3A_209, %swap3A_210], %swap3A_213 {strides = array<i32>} : memref<1x1x2048x2048xf32, #tpu.memory_space<vmem>>, vector<1x1x8x384xf32>,
        %mul3A_214 = arith.constant 128 : i32
        %mul3A_215 = arith.muli %mul3A_214, %scan3A_19 : i32
        %add3A_216 = arith.constant 56 : i32
        %add3A_217 = arith.addi %mul3A_215, %add3A_216 : i32
        %multiple_of3A_218 = tpu.assume_multiple %add3A_217, 8 : i32
        %swap3A_219 = arith.constant 0 : index
        %swap3A_220 = arith.constant 0 : index
        %swap3A_221 = arith.index_cast %multiple_of3A_218 : i32 to index
        %swap3A_222 = arith.constant 0 : index
        %swap3A_223 = vector.load %arg2[%swap3A_219, %swap3A_220, %swap3A_221, %swap3A_222] : memref<1x1x2048x2048xf32, #tpu.memory_space<vmem>>, vector<1x1x8x2048xf32>
        %swap3A_224 = vector.shape_cast %swap3A_223 : vector<1x1x8x2048xf32> to vector<8x2048xf32>
        %swap3A_225 = vector.shape_cast %select_n3A : vector<8x2048xf32> to vector<1x1x8x2048xf32>
        tpu.vector_store %arg2[%swap3A_219, %swap3A_220, %swap3A_221, %swap3A_222], %swap3A_225 {strides = array<i32>} : memref<1x1x2048x2048xf32, #tpu.memory_space<vmem>>, vector<1x1x8x2048xf32>,
        %roll3A_226 = arith.constant 441 : i32
        %roll3A_227 = tpu.dynamic_rotate %broadcast_in_dim3A_14 by %roll3A_226 dim 1 {stride = 1 : si32, stride_dimension = 0 : si32} : vector<8x512xf32>, i32 -> vector<8x512xf32>
        %slice3A_228 = vector.extract_strided_slice %roll3A_227 {offsets = [0, 0], sizes = [8, 384], strides = [1, 1]} : vector<8x512xf32> to vector<8x384xf32>
        %sub3A_229 = arith.constant 1 : i32
        %sub3A_230 = arith.subi %scan3A_19, %sub3A_229 : i32
        %mul3A_231 = arith.constant 128 : i32
        %mul3A_232 = arith.muli %mul3A_231, %sub3A_230 : i32
        %multiple_of3A_233 = tpu.assume_multiple %mul3A_232, 128 : i32
        %swap3A_234 = arith.constant 0 : index
        %swap3A_235 = arith.constant 0 : index
        %swap3A_236 = arith.index_cast %multiple_of3A_218 : i32 to index
        %swap3A_237 = arith.index_cast %multiple_of3A_233 : i32 to index
        %swap3A_238 = vector.load %arg2[%swap3A_234, %swap3A_235, %swap3A_236, %swap3A_237] : memref<1x1x2048x2048xf32, #tpu.memory_space<vmem>>, vector<1x1x8x384xf32>
        %swap3A_239 = vector.shape_cast %swap3A_238 : vector<1x1x8x384xf32> to vector<8x384xf32>
        %swap3A_240 = vector.shape_cast %slice3A_228 : vector<8x384xf32> to vector<1x1x8x384xf32>
        tpu.vector_store %arg2[%swap3A_234, %swap3A_235, %swap3A_236, %swap3A_237], %swap3A_240 {strides = array<i32>} : memref<1x1x2048x2048xf32, #tpu.memory_space<vmem>>, vector<1x1x8x384xf32>,
        %mul3A_241 = arith.constant 128 : i32
        %mul3A_242 = arith.muli %mul3A_241, %scan3A_19 : i32
        %add3A_243 = arith.constant 64 : i32
        %add3A_244 = arith.addi %mul3A_242, %add3A_243 : i32
        %multiple_of3A_245 = tpu.assume_multiple %add3A_244, 8 : i32
        %swap3A_246 = arith.constant 0 : index
        %swap3A_247 = arith.constant 0 : index
        %swap3A_248 = arith.index_cast %multiple_of3A_245 : i32 to index
        %swap3A_249 = arith.constant 0 : index
        %swap3A_250 = vector.load %arg2[%swap3A_246, %swap3A_247, %swap3A_248, %swap3A_249] : memref<1x1x2048x2048xf32, #tpu.memory_space<vmem>>, vector<1x1x8x2048xf32>
        %swap3A_251 = vector.shape_cast %swap3A_250 : vector<1x1x8x2048xf32> to vector<8x2048xf32>
        %swap3A_252 = vector.shape_cast %select_n3A : vector<8x2048xf32> to vector<1x1x8x2048xf32>
        tpu.vector_store %arg2[%swap3A_246, %swap3A_247, %swap3A_248, %swap3A_249], %swap3A_252 {strides = array<i32>} : memref<1x1x2048x2048xf32, #tpu.memory_space<vmem>>, vector<1x1x8x2048xf32>,
        %roll3A_253 = arith.constant 449 : i32
        %roll3A_254 = tpu.dynamic_rotate %broadcast_in_dim3A_14 by %roll3A_253 dim 1 {stride = 1 : si32, stride_dimension = 0 : si32} : vector<8x512xf32>, i32 -> vector<8x512xf32>
        %slice3A_255 = vector.extract_strided_slice %roll3A_254 {offsets = [0, 0], sizes = [8, 384], strides = [1, 1]} : vector<8x512xf32> to vector<8x384xf32>
        %sub3A_256 = arith.constant 1 : i32
        %sub3A_257 = arith.subi %scan3A_19, %sub3A_256 : i32
        %mul3A_258 = arith.constant 128 : i32
        %mul3A_259 = arith.muli %mul3A_258, %sub3A_257 : i32
        %multiple_of3A_260 = tpu.assume_multiple %mul3A_259, 128 : i32
        %swap3A_261 = arith.constant 0 : index
        %swap3A_262 = arith.constant 0 : index
        %swap3A_263 = arith.index_cast %multiple_of3A_245 : i32 to index
        %swap3A_264 = arith.index_cast %multiple_of3A_260 : i32 to index
        %swap3A_265 = vector.load %arg2[%swap3A_261, %swap3A_262, %swap3A_263, %swap3A_264] : memref<1x1x2048x2048xf32, #tpu.memory_space<vmem>>, vector<1x1x8x384xf32>
        %swap3A_266 = vector.shape_cast %swap3A_265 : vector<1x1x8x384xf32> to vector<8x384xf32>
        %swap3A_267 = vector.shape_cast %slice3A_255 : vector<8x384xf32> to vector<1x1x8x384xf32>
        tpu.vector_store %arg2[%swap3A_261, %swap3A_262, %swap3A_263, %swap3A_264], %swap3A_267 {strides = array<i32>} : memref<1x1x2048x2048xf32, #tpu.memory_space<vmem>>, vector<1x1x8x384xf32>,
        %mul3A_268 = arith.constant 128 : i32
        %mul3A_269 = arith.muli %mul3A_268, %scan3A_19 : i32
        %add3A_270 = arith.constant 72 : i32
        %add3A_271 = arith.addi %mul3A_269, %add3A_270 : i32
        %multiple_of3A_272 = tpu.assume_multiple %add3A_271, 8 : i32
        %swap3A_273 = arith.constant 0 : index
        %swap3A_274 = arith.constant 0 : index
        %swap3A_275 = arith.index_cast %multiple_of3A_272 : i32 to index
        %swap3A_276 = arith.constant 0 : index
        %swap3A_277 = vector.load %arg2[%swap3A_273, %swap3A_274, %swap3A_275, %swap3A_276] : memref<1x1x2048x2048xf32, #tpu.memory_space<vmem>>, vector<1x1x8x2048xf32>
        %swap3A_278 = vector.shape_cast %swap3A_277 : vector<1x1x8x2048xf32> to vector<8x2048xf32>
        %swap3A_279 = vector.shape_cast %select_n3A : vector<8x2048xf32> to vector<1x1x8x2048xf32>
        tpu.vector_store %arg2[%swap3A_273, %swap3A_274, %swap3A_275, %swap3A_276], %swap3A_279 {strides = array<i32>} : memref<1x1x2048x2048xf32, #tpu.memory_space<vmem>>, vector<1x1x8x2048xf32>,
        %roll3A_280 = arith.constant 457 : i32
        %roll3A_281 = tpu.dynamic_rotate %broadcast_in_dim3A_14 by %roll3A_280 dim 1 {stride = 1 : si32, stride_dimension = 0 : si32} : vector<8x512xf32>, i32 -> vector<8x512xf32>
        %slice3A_282 = vector.extract_strided_slice %roll3A_281 {offsets = [0, 0], sizes = [8, 384], strides = [1, 1]} : vector<8x512xf32> to vector<8x384xf32>
        %sub3A_283 = arith.constant 1 : i32
        %sub3A_284 = arith.subi %scan3A_19, %sub3A_283 : i32
        %mul3A_285 = arith.constant 128 : i32
        %mul3A_286 = arith.muli %mul3A_285, %sub3A_284 : i32
        %multiple_of3A_287 = tpu.assume_multiple %mul3A_286, 128 : i32
        %swap3A_288 = arith.constant 0 : index
        %swap3A_289 = arith.constant 0 : index
        %swap3A_290 = arith.index_cast %multiple_of3A_272 : i32 to index
        %swap3A_291 = arith.index_cast %multiple_of3A_287 : i32 to index
        %swap3A_292 = vector.load %arg2[%swap3A_288, %swap3A_289, %swap3A_290, %swap3A_291] : memref<1x1x2048x2048xf32, #tpu.memory_space<vmem>>, vector<1x1x8x384xf32>
        %swap3A_293 = vector.shape_cast %swap3A_292 : vector<1x1x8x384xf32> to vector<8x384xf32>
        %swap3A_294 = vector.shape_cast %slice3A_282 : vector<8x384xf32> to vector<1x1x8x384xf32>
        tpu.vector_store %arg2[%swap3A_288, %swap3A_289, %swap3A_290, %swap3A_291], %swap3A_294 {strides = array<i32>} : memref<1x1x2048x2048xf32, #tpu.memory_space<vmem>>, vector<1x1x8x384xf32>,
        %mul3A_295 = arith.constant 128 : i32
        %mul3A_296 = arith.muli %mul3A_295, %scan3A_19 : i32
        %add3A_297 = arith.constant 80 : i32
        %add3A_298 = arith.addi %mul3A_296, %add3A_297 : i32
        %multiple_of3A_299 = tpu.assume_multiple %add3A_298, 8 : i32
        %swap3A_300 = arith.constant 0 : index
        %swap3A_301 = arith.constant 0 : index
        %swap3A_302 = arith.index_cast %multiple_of3A_299 : i32 to index
        %swap3A_303 = arith.constant 0 : index
        %swap3A_304 = vector.load %arg2[%swap3A_300, %swap3A_301, %swap3A_302, %swap3A_303] : memref<1x1x2048x2048xf32, #tpu.memory_space<vmem>>, vector<1x1x8x2048xf32>
        %swap3A_305 = vector.shape_cast %swap3A_304 : vector<1x1x8x2048xf32> to vector<8x2048xf32>
        %swap3A_306 = vector.shape_cast %select_n3A : vector<8x2048xf32> to vector<1x1x8x2048xf32>
        tpu.vector_store %arg2[%swap3A_300, %swap3A_301, %swap3A_302, %swap3A_303], %swap3A_306 {strides = array<i32>} : memref<1x1x2048x2048xf32, #tpu.memory_space<vmem>>, vector<1x1x8x2048xf32>,
        %roll3A_307 = arith.constant 465 : i32
        %roll3A_308 = tpu.dynamic_rotate %broadcast_in_dim3A_14 by %roll3A_307 dim 1 {stride = 1 : si32, stride_dimension = 0 : si32} : vector<8x512xf32>, i32 -> vector<8x512xf32>
        %slice3A_309 = vector.extract_strided_slice %roll3A_308 {offsets = [0, 0], sizes = [8, 384], strides = [1, 1]} : vector<8x512xf32> to vector<8x384xf32>
        %sub3A_310 = arith.constant 1 : i32
        %sub3A_311 = arith.subi %scan3A_19, %sub3A_310 : i32
        %mul3A_312 = arith.constant 128 : i32
        %mul3A_313 = arith.muli %mul3A_312, %sub3A_311 : i32
        %multiple_of3A_314 = tpu.assume_multiple %mul3A_313, 128 : i32
        %swap3A_315 = arith.constant 0 : index
        %swap3A_316 = arith.constant 0 : index
        %swap3A_317 = arith.index_cast %multiple_of3A_299 : i32 to index
        %swap3A_318 = arith.index_cast %multiple_of3A_314 : i32 to index
        %swap3A_319 = vector.load %arg2[%swap3A_315, %swap3A_316, %swap3A_317, %swap3A_318] : memref<1x1x2048x2048xf32, #tpu.memory_space<vmem>>, vector<1x1x8x384xf32>
        %swap3A_320 = vector.shape_cast %swap3A_319 : vector<1x1x8x384xf32> to vector<8x384xf32>
        %swap3A_321 = vector.shape_cast %slice3A_309 : vector<8x384xf32> to vector<1x1x8x384xf32>
        tpu.vector_store %arg2[%swap3A_315, %swap3A_316, %swap3A_317, %swap3A_318], %swap3A_321 {strides = array<i32>} : memref<1x1x2048x2048xf32, #tpu.memory_space<vmem>>, vector<1x1x8x384xf32>,
        %mul3A_322 = arith.constant 128 : i32
        %mul3A_323 = arith.muli %mul3A_322, %scan3A_19 : i32
        %add3A_324 = arith.constant 88 : i32
        %add3A_325 = arith.addi %mul3A_323, %add3A_324 : i32
        %multiple_of3A_326 = tpu.assume_multiple %add3A_325, 8 : i32
        %swap3A_327 = arith.constant 0 : index
        %swap3A_328 = arith.constant 0 : index
        %swap3A_329 = arith.index_cast %multiple_of3A_326 : i32 to index
        %swap3A_330 = arith.constant 0 : index
        %swap3A_331 = vector.load %arg2[%swap3A_327, %swap3A_328, %swap3A_329, %swap3A_330] : memref<1x1x2048x2048xf32, #tpu.memory_space<vmem>>, vector<1x1x8x2048xf32>
        %swap3A_332 = vector.shape_cast %swap3A_331 : vector<1x1x8x2048xf32> to vector<8x2048xf32>
        %swap3A_333 = vector.shape_cast %select_n3A : vector<8x2048xf32> to vector<1x1x8x2048xf32>
        tpu.vector_store %arg2[%swap3A_327, %swap3A_328, %swap3A_329, %swap3A_330], %swap3A_333 {strides = array<i32>} : memref<1x1x2048x2048xf32, #tpu.memory_space<vmem>>, vector<1x1x8x2048xf32>,
        %roll3A_334 = arith.constant 473 : i32
        %roll3A_335 = tpu.dynamic_rotate %broadcast_in_dim3A_14 by %roll3A_334 dim 1 {stride = 1 : si32, stride_dimension = 0 : si32} : vector<8x512xf32>, i32 -> vector<8x512xf32>
        %slice3A_336 = vector.extract_strided_slice %roll3A_335 {offsets = [0, 0], sizes = [8, 384], strides = [1, 1]} : vector<8x512xf32> to vector<8x384xf32>
        %sub3A_337 = arith.constant 1 : i32
        %sub3A_338 = arith.subi %scan3A_19, %sub3A_337 : i32
        %mul3A_339 = arith.constant 128 : i32
        %mul3A_340 = arith.muli %mul3A_339, %sub3A_338 : i32
        %multiple_of3A_341 = tpu.assume_multiple %mul3A_340, 128 : i32
        %swap3A_342 = arith.constant 0 : index
        %swap3A_343 = arith.constant 0 : index
        %swap3A_344 = arith.index_cast %multiple_of3A_326 : i32 to index
        %swap3A_345 = arith.index_cast %multiple_of3A_341 : i32 to index
        %swap3A_346 = vector.load %arg2[%swap3A_342, %swap3A_343, %swap3A_344, %swap3A_345] : memref<1x1x2048x2048xf32, #tpu.memory_space<vmem>>, vector<1x1x8x384xf32>
        %swap3A_347 = vector.shape_cast %swap3A_346 : vector<1x1x8x384xf32> to vector<8x384xf32>
        %swap3A_348 = vector.shape_cast %slice3A_336 : vector<8x384xf32> to vector<1x1x8x384xf32>
        tpu.vector_store %arg2[%swap3A_342, %swap3A_343, %swap3A_344, %swap3A_345], %swap3A_348 {strides = array<i32>} : memref<1x1x2048x2048xf32, #tpu.memory_space<vmem>>, vector<1x1x8x384xf32>,
        %mul3A_349 = arith.constant 128 : i32
        %mul3A_350 = arith.muli %mul3A_349, %scan3A_19 : i32
        %add3A_351 = arith.constant 96 : i32
        %add3A_352 = arith.addi %mul3A_350, %add3A_351 : i32
        %multiple_of3A_353 = tpu.assume_multiple %add3A_352, 8 : i32
        %swap3A_354 = arith.constant 0 : index
        %swap3A_355 = arith.constant 0 : index
        %swap3A_356 = arith.index_cast %multiple_of3A_353 : i32 to index
        %swap3A_357 = arith.constant 0 : index
        %swap3A_358 = vector.load %arg2[%swap3A_354, %swap3A_355, %swap3A_356, %swap3A_357] : memref<1x1x2048x2048xf32, #tpu.memory_space<vmem>>, vector<1x1x8x2048xf32>
        %swap3A_359 = vector.shape_cast %swap3A_358 : vector<1x1x8x2048xf32> to vector<8x2048xf32>
        %swap3A_360 = vector.shape_cast %select_n3A : vector<8x2048xf32> to vector<1x1x8x2048xf32>
        tpu.vector_store %arg2[%swap3A_354, %swap3A_355, %swap3A_356, %swap3A_357], %swap3A_360 {strides = array<i32>} : memref<1x1x2048x2048xf32, #tpu.memory_space<vmem>>, vector<1x1x8x2048xf32>,
        %roll3A_361 = arith.constant 481 : i32
        %roll3A_362 = tpu.dynamic_rotate %broadcast_in_dim3A_14 by %roll3A_361 dim 1 {stride = 1 : si32, stride_dimension = 0 : si32} : vector<8x512xf32>, i32 -> vector<8x512xf32>
        %slice3A_363 = vector.extract_strided_slice %roll3A_362 {offsets = [0, 0], sizes = [8, 384], strides = [1, 1]} : vector<8x512xf32> to vector<8x384xf32>
        %sub3A_364 = arith.constant 1 : i32
        %sub3A_365 = arith.subi %scan3A_19, %sub3A_364 : i32
        %mul3A_366 = arith.constant 128 : i32
        %mul3A_367 = arith.muli %mul3A_366, %sub3A_365 : i32
        %multiple_of3A_368 = tpu.assume_multiple %mul3A_367, 128 : i32
        %swap3A_369 = arith.constant 0 : index
        %swap3A_370 = arith.constant 0 : index
        %swap3A_371 = arith.index_cast %multiple_of3A_353 : i32 to index
        %swap3A_372 = arith.index_cast %multiple_of3A_368 : i32 to index
        %swap3A_373 = vector.load %arg2[%swap3A_369, %swap3A_370, %swap3A_371, %swap3A_372] : memref<1x1x2048x2048xf32, #tpu.memory_space<vmem>>, vector<1x1x8x384xf32>
        %swap3A_374 = vector.shape_cast %swap3A_373 : vector<1x1x8x384xf32> to vector<8x384xf32>
        %swap3A_375 = vector.shape_cast %slice3A_363 : vector<8x384xf32> to vector<1x1x8x384xf32>
        tpu.vector_store %arg2[%swap3A_369, %swap3A_370, %swap3A_371, %swap3A_372], %swap3A_375 {strides = array<i32>} : memref<1x1x2048x2048xf32, #tpu.memory_space<vmem>>, vector<1x1x8x384xf32>,
        %mul3A_376 = arith.constant 128 : i32
        %mul3A_377 = arith.muli %mul3A_376, %scan3A_19 : i32
        %add3A_378 = arith.constant 104 : i32
        %add3A_379 = arith.addi %mul3A_377, %add3A_378 : i32
        %multiple_of3A_380 = tpu.assume_multiple %add3A_379, 8 : i32
        %swap3A_381 = arith.constant 0 : index
        %swap3A_382 = arith.constant 0 : index
        %swap3A_383 = arith.index_cast %multiple_of3A_380 : i32 to index
        %swap3A_384 = arith.constant 0 : index
        %swap3A_385 = vector.load %arg2[%swap3A_381, %swap3A_382, %swap3A_383, %swap3A_384] : memref<1x1x2048x2048xf32, #tpu.memory_space<vmem>>, vector<1x1x8x2048xf32>
        %swap3A_386 = vector.shape_cast %swap3A_385 : vector<1x1x8x2048xf32> to vector<8x2048xf32>
        %swap3A_387 = vector.shape_cast %select_n3A : vector<8x2048xf32> to vector<1x1x8x2048xf32>
        tpu.vector_store %arg2[%swap3A_381, %swap3A_382, %swap3A_383, %swap3A_384], %swap3A_387 {strides = array<i32>} : memref<1x1x2048x2048xf32, #tpu.memory_space<vmem>>, vector<1x1x8x2048xf32>,
        %roll3A_388 = arith.constant 489 : i32
        %roll3A_389 = tpu.dynamic_rotate %broadcast_in_dim3A_14 by %roll3A_388 dim 1 {stride = 1 : si32, stride_dimension = 0 : si32} : vector<8x512xf32>, i32 -> vector<8x512xf32>
        %slice3A_390 = vector.extract_strided_slice %roll3A_389 {offsets = [0, 0], sizes = [8, 384], strides = [1, 1]} : vector<8x512xf32> to vector<8x384xf32>
        %sub3A_391 = arith.constant 1 : i32
        %sub3A_392 = arith.subi %scan3A_19, %sub3A_391 : i32
        %mul3A_393 = arith.constant 128 : i32
        %mul3A_394 = arith.muli %mul3A_393, %sub3A_392 : i32
        %multiple_of3A_395 = tpu.assume_multiple %mul3A_394, 128 : i32
        %swap3A_396 = arith.constant 0 : index
        %swap3A_397 = arith.constant 0 : index
        %swap3A_398 = arith.index_cast %multiple_of3A_380 : i32 to index
        %swap3A_399 = arith.index_cast %multiple_of3A_395 : i32 to index
        %swap3A_400 = vector.load %arg2[%swap3A_396, %swap3A_397, %swap3A_398, %swap3A_399] : memref<1x1x2048x2048xf32, #tpu.memory_space<vmem>>, vector<1x1x8x384xf32>
        %swap3A_401 = vector.shape_cast %swap3A_400 : vector<1x1x8x384xf32> to vector<8x384xf32>
        %swap3A_402 = vector.shape_cast %slice3A_390 : vector<8x384xf32> to vector<1x1x8x384xf32>
        tpu.vector_store %arg2[%swap3A_396, %swap3A_397, %swap3A_398, %swap3A_399], %swap3A_402 {strides = array<i32>} : memref<1x1x2048x2048xf32, #tpu.memory_space<vmem>>, vector<1x1x8x384xf32>,
        %mul3A_403 = arith.constant 128 : i32
        %mul3A_404 = arith.muli %mul3A_403, %scan3A_19 : i32
        %add3A_405 = arith.constant 112 : i32
        %add3A_406 = arith.addi %mul3A_404, %add3A_405 : i32
        %multiple_of3A_407 = tpu.assume_multiple %add3A_406, 8 : i32
        %swap3A_408 = arith.constant 0 : index
        %swap3A_409 = arith.constant 0 : index
        %swap3A_410 = arith.index_cast %multiple_of3A_407 : i32 to index
        %swap3A_411 = arith.constant 0 : index
        %swap3A_412 = vector.load %arg2[%swap3A_408, %swap3A_409, %swap3A_410, %swap3A_411] : memref<1x1x2048x2048xf32, #tpu.memory_space<vmem>>, vector<1x1x8x2048xf32>
        %swap3A_413 = vector.shape_cast %swap3A_412 : vector<1x1x8x2048xf32> to vector<8x2048xf32>
        %swap3A_414 = vector.shape_cast %select_n3A : vector<8x2048xf32> to vector<1x1x8x2048xf32>
        tpu.vector_store %arg2[%swap3A_408, %swap3A_409, %swap3A_410, %swap3A_411], %swap3A_414 {strides = array<i32>} : memref<1x1x2048x2048xf32, #tpu.memory_space<vmem>>, vector<1x1x8x2048xf32>,
        %roll3A_415 = arith.constant 497 : i32
        %roll3A_416 = tpu.dynamic_rotate %broadcast_in_dim3A_14 by %roll3A_415 dim 1 {stride = 1 : si32, stride_dimension = 0 : si32} : vector<8x512xf32>, i32 -> vector<8x512xf32>
        %slice3A_417 = vector.extract_strided_slice %roll3A_416 {offsets = [0, 0], sizes = [8, 384], strides = [1, 1]} : vector<8x512xf32> to vector<8x384xf32>
        %sub3A_418 = arith.constant 1 : i32
        %sub3A_419 = arith.subi %scan3A_19, %sub3A_418 : i32
        %mul3A_420 = arith.constant 128 : i32
        %mul3A_421 = arith.muli %mul3A_420, %sub3A_419 : i32
        %multiple_of3A_422 = tpu.assume_multiple %mul3A_421, 128 : i32
        %swap3A_423 = arith.constant 0 : index
        %swap3A_424 = arith.constant 0 : index
        %swap3A_425 = arith.index_cast %multiple_of3A_407 : i32 to index
        %swap3A_426 = arith.index_cast %multiple_of3A_422 : i32 to index
        %swap3A_427 = vector.load %arg2[%swap3A_423, %swap3A_424, %swap3A_425, %swap3A_426] : memref<1x1x2048x2048xf32, #tpu.memory_space<vmem>>, vector<1x1x8x384xf32>
        %swap3A_428 = vector.shape_cast %swap3A_427 : vector<1x1x8x384xf32> to vector<8x384xf32>
        %swap3A_429 = vector.shape_cast %slice3A_417 : vector<8x384xf32> to vector<1x1x8x384xf32>
        tpu.vector_store %arg2[%swap3A_423, %swap3A_424, %swap3A_425, %swap3A_426], %swap3A_429 {strides = array<i32>} : memref<1x1x2048x2048xf32, #tpu.memory_space<vmem>>, vector<1x1x8x384xf32>,
        %mul3A_430 = arith.constant 128 : i32
        %mul3A_431 = arith.muli %mul3A_430, %scan3A_19 : i32
        %add3A_432 = arith.constant 120 : i32
        %add3A_433 = arith.addi %mul3A_431, %add3A_432 : i32
        %multiple_of3A_434 = tpu.assume_multiple %add3A_433, 8 : i32
        %swap3A_435 = arith.constant 0 : index
        %swap3A_436 = arith.constant 0 : index
        %swap3A_437 = arith.index_cast %multiple_of3A_434 : i32 to index
        %swap3A_438 = arith.constant 0 : index
        %swap3A_439 = vector.load %arg2[%swap3A_435, %swap3A_436, %swap3A_437, %swap3A_438] : memref<1x1x2048x2048xf32, #tpu.memory_space<vmem>>, vector<1x1x8x2048xf32>
        %swap3A_440 = vector.shape_cast %swap3A_439 : vector<1x1x8x2048xf32> to vector<8x2048xf32>
        %swap3A_441 = vector.shape_cast %select_n3A : vector<8x2048xf32> to vector<1x1x8x2048xf32>
        tpu.vector_store %arg2[%swap3A_435, %swap3A_436, %swap3A_437, %swap3A_438], %swap3A_441 {strides = array<i32>} : memref<1x1x2048x2048xf32, #tpu.memory_space<vmem>>, vector<1x1x8x2048xf32>,
        %roll3A_442 = arith.constant 505 : i32
        %roll3A_443 = tpu.dynamic_rotate %broadcast_in_dim3A_14 by %roll3A_442 dim 1 {stride = 1 : si32, stride_dimension = 0 : si32} : vector<8x512xf32>, i32 -> vector<8x512xf32>
        %slice3A_444 = vector.extract_strided_slice %roll3A_443 {offsets = [0, 0], sizes = [8, 384], strides = [1, 1]} : vector<8x512xf32> to vector<8x384xf32>
        %sub3A_445 = arith.constant 1 : i32
        %sub3A_446 = arith.subi %scan3A_19, %sub3A_445 : i32
        %mul3A_447 = arith.constant 128 : i32
        %mul3A_448 = arith.muli %mul3A_447, %sub3A_446 : i32
        %multiple_of3A_449 = tpu.assume_multiple %mul3A_448, 128 : i32
        %swap3A_450 = arith.constant 0 : index
        %swap3A_451 = arith.constant 0 : index
        %swap3A_452 = arith.index_cast %multiple_of3A_434 : i32 to index
        %swap3A_453 = arith.index_cast %multiple_of3A_449 : i32 to index
        %swap3A_454 = vector.load %arg2[%swap3A_450, %swap3A_451, %swap3A_452, %swap3A_453] : memref<1x1x2048x2048xf32, #tpu.memory_space<vmem>>, vector<1x1x8x384xf32>
        %swap3A_455 = vector.shape_cast %swap3A_454 : vector<1x1x8x384xf32> to vector<8x384xf32>
        %swap3A_456 = vector.shape_cast %slice3A_444 : vector<8x384xf32> to vector<1x1x8x384xf32>
        tpu.vector_store %arg2[%swap3A_450, %swap3A_451, %swap3A_452, %swap3A_453], %swap3A_456 {strides = array<i32>} : memref<1x1x2048x2048xf32, #tpu.memory_space<vmem>>, vector<1x1x8x384xf32>,
      } else {
      }
      %not3A = arith.constant true
      %not3A_23 = arith.xori %and3A, %not3A : i1
      %convert_element_type3A_24 = arith.extui %not3A_23 : i1 to i32
      %cond3A_25 = arith.constant 0 : i32
      %cond3A_26 = arith.cmpi ne, %convert_element_type3A_24, %cond3A_25 : i32
      scf.if %cond3A_26 {
        %mul3A = arith.constant 16 : i32
        %mul3A_27 = arith.muli %mul3A, %scan3A_19 : i32
        %sub3A = arith.constant 240 : i32
        %sub3A_28 = arith.subi %sub3A, %mul3A_27 : i32
        %mul3A_29 = arith.constant 8 : i32
        %mul3A_30 = arith.muli %mul3A_29, %sub3A_28 : i32
        %multiple_of3A = tpu.assume_multiple %mul3A_30, 128 : i32
        %get3A_31 = arith.constant 0 : index
        %get3A_32 = arith.constant 0 : index
        %get3A_33 = arith.index_cast %multiple_of3A : i32 to index
        %get3A_34 = vector.load %arg1[%get3A_31, %get3A_32, %get3A_33] : memref<1x1x4224xf32, #tpu.memory_space<vmem>>, vector<1x1x2176xf32>
        %get3A_35 = vector.shape_cast %get3A_34 : vector<1x1x2176xf32> to vector<1x2176xf32>
        %broadcast_in_dim3A_36 = vector.shape_cast %get3A_35 : vector<1x2176xf32> to vector<1x2176xf32>
        %broadcast_in_dim3A_37 = vector.broadcast %broadcast_in_dim3A_36 : vector<1x2176xf32> to vector<8x2176xf32>
        %roll3A = arith.constant 2049 : i32
        %roll3A_38 = tpu.dynamic_rotate %broadcast_in_dim3A_37 by %roll3A dim 1 {stride = 1 : si32, stride_dimension = 0 : si32} : vector<8x2176xf32>, i32 -> vector<8x2176xf32>
        %slice3A = vector.extract_strided_slice %roll3A_38 {offsets = [0, 0], sizes = [8, 2048], strides = [1, 1]} : vector<8x2176xf32> to vector<8x2048xf32>
        %mul3A_39 = arith.constant 128 : i32
        %mul3A_40 = arith.muli %mul3A_39, %scan3A_19 : i32
        %add3A = arith.constant 0 : i32
        %add3A_41 = arith.addi %mul3A_40, %add3A : i32
        %multiple_of3A_42 = tpu.assume_multiple %add3A_41, 8 : i32
        %swap3A = arith.constant 0 : index
        %swap3A_43 = arith.constant 0 : index
        %swap3A_44 = arith.index_cast %multiple_of3A_42 : i32 to index
        %swap3A_45 = arith.constant 0 : index
        %swap3A_46 = vector.load %arg2[%swap3A, %swap3A_43, %swap3A_44, %swap3A_45] : memref<1x1x2048x2048xf32, #tpu.memory_space<vmem>>, vector<1x1x8x2048xf32>
        %swap3A_47 = vector.shape_cast %swap3A_46 : vector<1x1x8x2048xf32> to vector<8x2048xf32>
        %swap3A_48 = vector.shape_cast %slice3A : vector<8x2048xf32> to vector<1x1x8x2048xf32>
        tpu.vector_store %arg2[%swap3A, %swap3A_43, %swap3A_44, %swap3A_45], %swap3A_48 {strides = array<i32>} : memref<1x1x2048x2048xf32, #tpu.memory_space<vmem>>, vector<1x1x8x2048xf32>,
        %roll3A_49 = arith.constant 2057 : i32
        %roll3A_50 = tpu.dynamic_rotate %broadcast_in_dim3A_37 by %roll3A_49 dim 1 {stride = 1 : si32, stride_dimension = 0 : si32} : vector<8x2176xf32>, i32 -> vector<8x2176xf32>
        %slice3A_51 = vector.extract_strided_slice %roll3A_50 {offsets = [0, 0], sizes = [8, 2048], strides = [1, 1]} : vector<8x2176xf32> to vector<8x2048xf32>
        %mul3A_52 = arith.constant 128 : i32
        %mul3A_53 = arith.muli %mul3A_52, %scan3A_19 : i32
        %add3A_54 = arith.constant 8 : i32
        %add3A_55 = arith.addi %mul3A_53, %add3A_54 : i32
        %multiple_of3A_56 = tpu.assume_multiple %add3A_55, 8 : i32
        %swap3A_57 = arith.constant 0 : index
        %swap3A_58 = arith.constant 0 : index
        %swap3A_59 = arith.index_cast %multiple_of3A_56 : i32 to index
        %swap3A_60 = arith.constant 0 : index
        %swap3A_61 = vector.load %arg2[%swap3A_57, %swap3A_58, %swap3A_59, %swap3A_60] : memref<1x1x2048x2048xf32, #tpu.memory_space<vmem>>, vector<1x1x8x2048xf32>
        %swap3A_62 = vector.shape_cast %swap3A_61 : vector<1x1x8x2048xf32> to vector<8x2048xf32>
        %swap3A_63 = vector.shape_cast %slice3A_51 : vector<8x2048xf32> to vector<1x1x8x2048xf32>
        tpu.vector_store %arg2[%swap3A_57, %swap3A_58, %swap3A_59, %swap3A_60], %swap3A_63 {strides = array<i32>} : memref<1x1x2048x2048xf32, #tpu.memory_space<vmem>>, vector<1x1x8x2048xf32>,
        %roll3A_64 = arith.constant 2065 : i32
        %roll3A_65 = tpu.dynamic_rotate %broadcast_in_dim3A_37 by %roll3A_64 dim 1 {stride = 1 : si32, stride_dimension = 0 : si32} : vector<8x2176xf32>, i32 -> vector<8x2176xf32>
        %slice3A_66 = vector.extract_strided_slice %roll3A_65 {offsets = [0, 0], sizes = [8, 2048], strides = [1, 1]} : vector<8x2176xf32> to vector<8x2048xf32>
        %mul3A_67 = arith.constant 128 : i32
        %mul3A_68 = arith.muli %mul3A_67, %scan3A_19 : i32
        %add3A_69 = arith.constant 16 : i32
        %add3A_70 = arith.addi %mul3A_68, %add3A_69 : i32
        %multiple_of3A_71 = tpu.assume_multiple %add3A_70, 8 : i32
        %swap3A_72 = arith.constant 0 : index
        %swap3A_73 = arith.constant 0 : index
        %swap3A_74 = arith.index_cast %multiple_of3A_71 : i32 to index
        %swap3A_75 = arith.constant 0 : index
        %swap3A_76 = vector.load %arg2[%swap3A_72, %swap3A_73, %swap3A_74, %swap3A_75] : memref<1x1x2048x2048xf32, #tpu.memory_space<vmem>>, vector<1x1x8x2048xf32>
        %swap3A_77 = vector.shape_cast %swap3A_76 : vector<1x1x8x2048xf32> to vector<8x2048xf32>
        %swap3A_78 = vector.shape_cast %slice3A_66 : vector<8x2048xf32> to vector<1x1x8x2048xf32>
        tpu.vector_store %arg2[%swap3A_72, %swap3A_73, %swap3A_74, %swap3A_75], %swap3A_78 {strides = array<i32>} : memref<1x1x2048x2048xf32, #tpu.memory_space<vmem>>, vector<1x1x8x2048xf32>,
        %roll3A_79 = arith.constant 2073 : i32
        %roll3A_80 = tpu.dynamic_rotate %broadcast_in_dim3A_37 by %roll3A_79 dim 1 {stride = 1 : si32, stride_dimension = 0 : si32} : vector<8x2176xf32>, i32 -> vector<8x2176xf32>
        %slice3A_81 = vector.extract_strided_slice %roll3A_80 {offsets = [0, 0], sizes = [8, 2048], strides = [1, 1]} : vector<8x2176xf32> to vector<8x2048xf32>
        %mul3A_82 = arith.constant 128 : i32
        %mul3A_83 = arith.muli %mul3A_82, %scan3A_19 : i32
        %add3A_84 = arith.constant 24 : i32
        %add3A_85 = arith.addi %mul3A_83, %add3A_84 : i32
        %multiple_of3A_86 = tpu.assume_multiple %add3A_85, 8 : i32
        %swap3A_87 = arith.constant 0 : index
        %swap3A_88 = arith.constant 0 : index
        %swap3A_89 = arith.index_cast %multiple_of3A_86 : i32 to index
        %swap3A_90 = arith.constant 0 : index
        %swap3A_91 = vector.load %arg2[%swap3A_87, %swap3A_88, %swap3A_89, %swap3A_90] : memref<1x1x2048x2048xf32, #tpu.memory_space<vmem>>, vector<1x1x8x2048xf32>
        %swap3A_92 = vector.shape_cast %swap3A_91 : vector<1x1x8x2048xf32> to vector<8x2048xf32>
        %swap3A_93 = vector.shape_cast %slice3A_81 : vector<8x2048xf32> to vector<1x1x8x2048xf32>
        tpu.vector_store %arg2[%swap3A_87, %swap3A_88, %swap3A_89, %swap3A_90], %swap3A_93 {strides = array<i32>} : memref<1x1x2048x2048xf32, #tpu.memory_space<vmem>>, vector<1x1x8x2048xf32>,
        %roll3A_94 = arith.constant 2081 : i32
        %roll3A_95 = tpu.dynamic_rotate %broadcast_in_dim3A_37 by %roll3A_94 dim 1 {stride = 1 : si32, stride_dimension = 0 : si32} : vector<8x2176xf32>, i32 -> vector<8x2176xf32>
        %slice3A_96 = vector.extract_strided_slice %roll3A_95 {offsets = [0, 0], sizes = [8, 2048], strides = [1, 1]} : vector<8x2176xf32> to vector<8x2048xf32>
        %mul3A_97 = arith.constant 128 : i32
        %mul3A_98 = arith.muli %mul3A_97, %scan3A_19 : i32
        %add3A_99 = arith.constant 32 : i32
        %add3A_100 = arith.addi %mul3A_98, %add3A_99 : i32
        %multiple_of3A_101 = tpu.assume_multiple %add3A_100, 8 : i32
        %swap3A_102 = arith.constant 0 : index
        %swap3A_103 = arith.constant 0 : index
        %swap3A_104 = arith.index_cast %multiple_of3A_101 : i32 to index
        %swap3A_105 = arith.constant 0 : index
        %swap3A_106 = vector.load %arg2[%swap3A_102, %swap3A_103, %swap3A_104, %swap3A_105] : memref<1x1x2048x2048xf32, #tpu.memory_space<vmem>>, vector<1x1x8x2048xf32>
        %swap3A_107 = vector.shape_cast %swap3A_106 : vector<1x1x8x2048xf32> to vector<8x2048xf32>
        %swap3A_108 = vector.shape_cast %slice3A_96 : vector<8x2048xf32> to vector<1x1x8x2048xf32>
        tpu.vector_store %arg2[%swap3A_102, %swap3A_103, %swap3A_104, %swap3A_105], %swap3A_108 {strides = array<i32>} : memref<1x1x2048x2048xf32, #tpu.memory_space<vmem>>, vector<1x1x8x2048xf32>,
        %roll3A_109 = arith.constant 2089 : i32
        %roll3A_110 = tpu.dynamic_rotate %broadcast_in_dim3A_37 by %roll3A_109 dim 1 {stride = 1 : si32, stride_dimension = 0 : si32} : vector<8x2176xf32>, i32 -> vector<8x2176xf32>
        %slice3A_111 = vector.extract_strided_slice %roll3A_110 {offsets = [0, 0], sizes = [8, 2048], strides = [1, 1]} : vector<8x2176xf32> to vector<8x2048xf32>
        %mul3A_112 = arith.constant 128 : i32
        %mul3A_113 = arith.muli %mul3A_112, %scan3A_19 : i32
        %add3A_114 = arith.constant 40 : i32
        %add3A_115 = arith.addi %mul3A_113, %add3A_114 : i32
        %multiple_of3A_116 = tpu.assume_multiple %add3A_115, 8 : i32
        %swap3A_117 = arith.constant 0 : index
        %swap3A_118 = arith.constant 0 : index
        %swap3A_119 = arith.index_cast %multiple_of3A_116 : i32 to index
        %swap3A_120 = arith.constant 0 : index
        %swap3A_121 = vector.load %arg2[%swap3A_117, %swap3A_118, %swap3A_119, %swap3A_120] : memref<1x1x2048x2048xf32, #tpu.memory_space<vmem>>, vector<1x1x8x2048xf32>
        %swap3A_122 = vector.shape_cast %swap3A_121 : vector<1x1x8x2048xf32> to vector<8x2048xf32>
        %swap3A_123 = vector.shape_cast %slice3A_111 : vector<8x2048xf32> to vector<1x1x8x2048xf32>
        tpu.vector_store %arg2[%swap3A_117, %swap3A_118, %swap3A_119, %swap3A_120], %swap3A_123 {strides = array<i32>} : memref<1x1x2048x2048xf32, #tpu.memory_space<vmem>>, vector<1x1x8x2048xf32>,
        %roll3A_124 = arith.constant 2097 : i32
        %roll3A_125 = tpu.dynamic_rotate %broadcast_in_dim3A_37 by %roll3A_124 dim 1 {stride = 1 : si32, stride_dimension = 0 : si32} : vector<8x2176xf32>, i32 -> vector<8x2176xf32>
        %slice3A_126 = vector.extract_strided_slice %roll3A_125 {offsets = [0, 0], sizes = [8, 2048], strides = [1, 1]} : vector<8x2176xf32> to vector<8x2048xf32>
        %mul3A_127 = arith.constant 128 : i32
        %mul3A_128 = arith.muli %mul3A_127, %scan3A_19 : i32
        %add3A_129 = arith.constant 48 : i32
        %add3A_130 = arith.addi %mul3A_128, %add3A_129 : i32
        %multiple_of3A_131 = tpu.assume_multiple %add3A_130, 8 : i32
        %swap3A_132 = arith.constant 0 : index
        %swap3A_133 = arith.constant 0 : index
        %swap3A_134 = arith.index_cast %multiple_of3A_131 : i32 to index
        %swap3A_135 = arith.constant 0 : index
        %swap3A_136 = vector.load %arg2[%swap3A_132, %swap3A_133, %swap3A_134, %swap3A_135] : memref<1x1x2048x2048xf32, #tpu.memory_space<vmem>>, vector<1x1x8x2048xf32>
        %swap3A_137 = vector.shape_cast %swap3A_136 : vector<1x1x8x2048xf32> to vector<8x2048xf32>
        %swap3A_138 = vector.shape_cast %slice3A_126 : vector<8x2048xf32> to vector<1x1x8x2048xf32>
        tpu.vector_store %arg2[%swap3A_132, %swap3A_133, %swap3A_134, %swap3A_135], %swap3A_138 {strides = array<i32>} : memref<1x1x2048x2048xf32, #tpu.memory_space<vmem>>, vector<1x1x8x2048xf32>,
        %roll3A_139 = arith.constant 2105 : i32
        %roll3A_140 = tpu.dynamic_rotate %broadcast_in_dim3A_37 by %roll3A_139 dim 1 {stride = 1 : si32, stride_dimension = 0 : si32} : vector<8x2176xf32>, i32 -> vector<8x2176xf32>
        %slice3A_141 = vector.extract_strided_slice %roll3A_140 {offsets = [0, 0], sizes = [8, 2048], strides = [1, 1]} : vector<8x2176xf32> to vector<8x2048xf32>
        %mul3A_142 = arith.constant 128 : i32
        %mul3A_143 = arith.muli %mul3A_142, %scan3A_19 : i32
        %add3A_144 = arith.constant 56 : i32
        %add3A_145 = arith.addi %mul3A_143, %add3A_144 : i32
        %multiple_of3A_146 = tpu.assume_multiple %add3A_145, 8 : i32
        %swap3A_147 = arith.constant 0 : index
        %swap3A_148 = arith.constant 0 : index
        %swap3A_149 = arith.index_cast %multiple_of3A_146 : i32 to index
        %swap3A_150 = arith.constant 0 : index
        %swap3A_151 = vector.load %arg2[%swap3A_147, %swap3A_148, %swap3A_149, %swap3A_150] : memref<1x1x2048x2048xf32, #tpu.memory_space<vmem>>, vector<1x1x8x2048xf32>
        %swap3A_152 = vector.shape_cast %swap3A_151 : vector<1x1x8x2048xf32> to vector<8x2048xf32>
        %swap3A_153 = vector.shape_cast %slice3A_141 : vector<8x2048xf32> to vector<1x1x8x2048xf32>
        tpu.vector_store %arg2[%swap3A_147, %swap3A_148, %swap3A_149, %swap3A_150], %swap3A_153 {strides = array<i32>} : memref<1x1x2048x2048xf32, #tpu.memory_space<vmem>>, vector<1x1x8x2048xf32>,
        %roll3A_154 = arith.constant 2113 : i32
        %roll3A_155 = tpu.dynamic_rotate %broadcast_in_dim3A_37 by %roll3A_154 dim 1 {stride = 1 : si32, stride_dimension = 0 : si32} : vector<8x2176xf32>, i32 -> vector<8x2176xf32>
        %slice3A_156 = vector.extract_strided_slice %roll3A_155 {offsets = [0, 0], sizes = [8, 2048], strides = [1, 1]} : vector<8x2176xf32> to vector<8x2048xf32>
        %mul3A_157 = arith.constant 128 : i32
        %mul3A_158 = arith.muli %mul3A_157, %scan3A_19 : i32
        %add3A_159 = arith.constant 64 : i32
        %add3A_160 = arith.addi %mul3A_158, %add3A_159 : i32
        %multiple_of3A_161 = tpu.assume_multiple %add3A_160, 8 : i32
        %swap3A_162 = arith.constant 0 : index
        %swap3A_163 = arith.constant 0 : index
        %swap3A_164 = arith.index_cast %multiple_of3A_161 : i32 to index
        %swap3A_165 = arith.constant 0 : index
        %swap3A_166 = vector.load %arg2[%swap3A_162, %swap3A_163, %swap3A_164, %swap3A_165] : memref<1x1x2048x2048xf32, #tpu.memory_space<vmem>>, vector<1x1x8x2048xf32>
        %swap3A_167 = vector.shape_cast %swap3A_166 : vector<1x1x8x2048xf32> to vector<8x2048xf32>
        %swap3A_168 = vector.shape_cast %slice3A_156 : vector<8x2048xf32> to vector<1x1x8x2048xf32>
        tpu.vector_store %arg2[%swap3A_162, %swap3A_163, %swap3A_164, %swap3A_165], %swap3A_168 {strides = array<i32>} : memref<1x1x2048x2048xf32, #tpu.memory_space<vmem>>, vector<1x1x8x2048xf32>,
        %roll3A_169 = arith.constant 2121 : i32
        %roll3A_170 = tpu.dynamic_rotate %broadcast_in_dim3A_37 by %roll3A_169 dim 1 {stride = 1 : si32, stride_dimension = 0 : si32} : vector<8x2176xf32>, i32 -> vector<8x2176xf32>
        %slice3A_171 = vector.extract_strided_slice %roll3A_170 {offsets = [0, 0], sizes = [8, 2048], strides = [1, 1]} : vector<8x2176xf32> to vector<8x2048xf32>
        %mul3A_172 = arith.constant 128 : i32
        %mul3A_173 = arith.muli %mul3A_172, %scan3A_19 : i32
        %add3A_174 = arith.constant 72 : i32
        %add3A_175 = arith.addi %mul3A_173, %add3A_174 : i32
        %multiple_of3A_176 = tpu.assume_multiple %add3A_175, 8 : i32
        %swap3A_177 = arith.constant 0 : index
        %swap3A_178 = arith.constant 0 : index
        %swap3A_179 = arith.index_cast %multiple_of3A_176 : i32 to index
        %swap3A_180 = arith.constant 0 : index
        %swap3A_181 = vector.load %arg2[%swap3A_177, %swap3A_178, %swap3A_179, %swap3A_180] : memref<1x1x2048x2048xf32, #tpu.memory_space<vmem>>, vector<1x1x8x2048xf32>
        %swap3A_182 = vector.shape_cast %swap3A_181 : vector<1x1x8x2048xf32> to vector<8x2048xf32>
        %swap3A_183 = vector.shape_cast %slice3A_171 : vector<8x2048xf32> to vector<1x1x8x2048xf32>
        tpu.vector_store %arg2[%swap3A_177, %swap3A_178, %swap3A_179, %swap3A_180], %swap3A_183 {strides = array<i32>} : memref<1x1x2048x2048xf32, #tpu.memory_space<vmem>>, vector<1x1x8x2048xf32>,
        %roll3A_184 = arith.constant 2129 : i32
        %roll3A_185 = tpu.dynamic_rotate %broadcast_in_dim3A_37 by %roll3A_184 dim 1 {stride = 1 : si32, stride_dimension = 0 : si32} : vector<8x2176xf32>, i32 -> vector<8x2176xf32>
        %slice3A_186 = vector.extract_strided_slice %roll3A_185 {offsets = [0, 0], sizes = [8, 2048], strides = [1, 1]} : vector<8x2176xf32> to vector<8x2048xf32>
        %mul3A_187 = arith.constant 128 : i32
        %mul3A_188 = arith.muli %mul3A_187, %scan3A_19 : i32
        %add3A_189 = arith.constant 80 : i32
        %add3A_190 = arith.addi %mul3A_188, %add3A_189 : i32
        %multiple_of3A_191 = tpu.assume_multiple %add3A_190, 8 : i32
        %swap3A_192 = arith.constant 0 : index
        %swap3A_193 = arith.constant 0 : index
        %swap3A_194 = arith.index_cast %multiple_of3A_191 : i32 to index
        %swap3A_195 = arith.constant 0 : index
        %swap3A_196 = vector.load %arg2[%swap3A_192, %swap3A_193, %swap3A_194, %swap3A_195] : memref<1x1x2048x2048xf32, #tpu.memory_space<vmem>>, vector<1x1x8x2048xf32>
        %swap3A_197 = vector.shape_cast %swap3A_196 : vector<1x1x8x2048xf32> to vector<8x2048xf32>
        %swap3A_198 = vector.shape_cast %slice3A_186 : vector<8x2048xf32> to vector<1x1x8x2048xf32>
        tpu.vector_store %arg2[%swap3A_192, %swap3A_193, %swap3A_194, %swap3A_195], %swap3A_198 {strides = array<i32>} : memref<1x1x2048x2048xf32, #tpu.memory_space<vmem>>, vector<1x1x8x2048xf32>,
        %roll3A_199 = arith.constant 2137 : i32
        %roll3A_200 = tpu.dynamic_rotate %broadcast_in_dim3A_37 by %roll3A_199 dim 1 {stride = 1 : si32, stride_dimension = 0 : si32} : vector<8x2176xf32>, i32 -> vector<8x2176xf32>
        %slice3A_201 = vector.extract_strided_slice %roll3A_200 {offsets = [0, 0], sizes = [8, 2048], strides = [1, 1]} : vector<8x2176xf32> to vector<8x2048xf32>
        %mul3A_202 = arith.constant 128 : i32
        %mul3A_203 = arith.muli %mul3A_202, %scan3A_19 : i32
        %add3A_204 = arith.constant 88 : i32
        %add3A_205 = arith.addi %mul3A_203, %add3A_204 : i32
        %multiple_of3A_206 = tpu.assume_multiple %add3A_205, 8 : i32
        %swap3A_207 = arith.constant 0 : index
        %swap3A_208 = arith.constant 0 : index
        %swap3A_209 = arith.index_cast %multiple_of3A_206 : i32 to index
        %swap3A_210 = arith.constant 0 : index
        %swap3A_211 = vector.load %arg2[%swap3A_207, %swap3A_208, %swap3A_209, %swap3A_210] : memref<1x1x2048x2048xf32, #tpu.memory_space<vmem>>, vector<1x1x8x2048xf32>
        %swap3A_212 = vector.shape_cast %swap3A_211 : vector<1x1x8x2048xf32> to vector<8x2048xf32>
        %swap3A_213 = vector.shape_cast %slice3A_201 : vector<8x2048xf32> to vector<1x1x8x2048xf32>
        tpu.vector_store %arg2[%swap3A_207, %swap3A_208, %swap3A_209, %swap3A_210], %swap3A_213 {strides = array<i32>} : memref<1x1x2048x2048xf32, #tpu.memory_space<vmem>>, vector<1x1x8x2048xf32>,
        %roll3A_214 = arith.constant 2145 : i32
        %roll3A_215 = tpu.dynamic_rotate %broadcast_in_dim3A_37 by %roll3A_214 dim 1 {stride = 1 : si32, stride_dimension = 0 : si32} : vector<8x2176xf32>, i32 -> vector<8x2176xf32>
        %slice3A_216 = vector.extract_strided_slice %roll3A_215 {offsets = [0, 0], sizes = [8, 2048], strides = [1, 1]} : vector<8x2176xf32> to vector<8x2048xf32>
        %mul3A_217 = arith.constant 128 : i32
        %mul3A_218 = arith.muli %mul3A_217, %scan3A_19 : i32
        %add3A_219 = arith.constant 96 : i32
        %add3A_220 = arith.addi %mul3A_218, %add3A_219 : i32
        %multiple_of3A_221 = tpu.assume_multiple %add3A_220, 8 : i32
        %swap3A_222 = arith.constant 0 : index
        %swap3A_223 = arith.constant 0 : index
        %swap3A_224 = arith.index_cast %multiple_of3A_221 : i32 to index
        %swap3A_225 = arith.constant 0 : index
        %swap3A_226 = vector.load %arg2[%swap3A_222, %swap3A_223, %swap3A_224, %swap3A_225] : memref<1x1x2048x2048xf32, #tpu.memory_space<vmem>>, vector<1x1x8x2048xf32>
        %swap3A_227 = vector.shape_cast %swap3A_226 : vector<1x1x8x2048xf32> to vector<8x2048xf32>
        %swap3A_228 = vector.shape_cast %slice3A_216 : vector<8x2048xf32> to vector<1x1x8x2048xf32>
        tpu.vector_store %arg2[%swap3A_222, %swap3A_223, %swap3A_224, %swap3A_225], %swap3A_228 {strides = array<i32>} : memref<1x1x2048x2048xf32, #tpu.memory_space<vmem>>, vector<1x1x8x2048xf32>,
        %roll3A_229 = arith.constant 2153 : i32
        %roll3A_230 = tpu.dynamic_rotate %broadcast_in_dim3A_37 by %roll3A_229 dim 1 {stride = 1 : si32, stride_dimension = 0 : si32} : vector<8x2176xf32>, i32 -> vector<8x2176xf32>
        %slice3A_231 = vector.extract_strided_slice %roll3A_230 {offsets = [0, 0], sizes = [8, 2048], strides = [1, 1]} : vector<8x2176xf32> to vector<8x2048xf32>
        %mul3A_232 = arith.constant 128 : i32
        %mul3A_233 = arith.muli %mul3A_232, %scan3A_19 : i32
        %add3A_234 = arith.constant 104 : i32
        %add3A_235 = arith.addi %mul3A_233, %add3A_234 : i32
        %multiple_of3A_236 = tpu.assume_multiple %add3A_235, 8 : i32
        %swap3A_237 = arith.constant 0 : index
        %swap3A_238 = arith.constant 0 : index
        %swap3A_239 = arith.index_cast %multiple_of3A_236 : i32 to index
        %swap3A_240 = arith.constant 0 : index
        %swap3A_241 = vector.load %arg2[%swap3A_237, %swap3A_238, %swap3A_239, %swap3A_240] : memref<1x1x2048x2048xf32, #tpu.memory_space<vmem>>, vector<1x1x8x2048xf32>
        %swap3A_242 = vector.shape_cast %swap3A_241 : vector<1x1x8x2048xf32> to vector<8x2048xf32>
        %swap3A_243 = vector.shape_cast %slice3A_231 : vector<8x2048xf32> to vector<1x1x8x2048xf32>
        tpu.vector_store %arg2[%swap3A_237, %swap3A_238, %swap3A_239, %swap3A_240], %swap3A_243 {strides = array<i32>} : memref<1x1x2048x2048xf32, #tpu.memory_space<vmem>>, vector<1x1x8x2048xf32>,
        %roll3A_244 = arith.constant 2161 : i32
        %roll3A_245 = tpu.dynamic_rotate %broadcast_in_dim3A_37 by %roll3A_244 dim 1 {stride = 1 : si32, stride_dimension = 0 : si32} : vector<8x2176xf32>, i32 -> vector<8x2176xf32>
        %slice3A_246 = vector.extract_strided_slice %roll3A_245 {offsets = [0, 0], sizes = [8, 2048], strides = [1, 1]} : vector<8x2176xf32> to vector<8x2048xf32>
        %mul3A_247 = arith.constant 128 : i32
        %mul3A_248 = arith.muli %mul3A_247, %scan3A_19 : i32
        %add3A_249 = arith.constant 112 : i32
        %add3A_250 = arith.addi %mul3A_248, %add3A_249 : i32
        %multiple_of3A_251 = tpu.assume_multiple %add3A_250, 8 : i32
        %swap3A_252 = arith.constant 0 : index
        %swap3A_253 = arith.constant 0 : index
        %swap3A_254 = arith.index_cast %multiple_of3A_251 : i32 to index
        %swap3A_255 = arith.constant 0 : index
        %swap3A_256 = vector.load %arg2[%swap3A_252, %swap3A_253, %swap3A_254, %swap3A_255] : memref<1x1x2048x2048xf32, #tpu.memory_space<vmem>>, vector<1x1x8x2048xf32>
        %swap3A_257 = vector.shape_cast %swap3A_256 : vector<1x1x8x2048xf32> to vector<8x2048xf32>
        %swap3A_258 = vector.shape_cast %slice3A_246 : vector<8x2048xf32> to vector<1x1x8x2048xf32>
        tpu.vector_store %arg2[%swap3A_252, %swap3A_253, %swap3A_254, %swap3A_255], %swap3A_258 {strides = array<i32>} : memref<1x1x2048x2048xf32, #tpu.memory_space<vmem>>, vector<1x1x8x2048xf32>,
        %roll3A_259 = arith.constant 2169 : i32
        %roll3A_260 = tpu.dynamic_rotate %broadcast_in_dim3A_37 by %roll3A_259 dim 1 {stride = 1 : si32, stride_dimension = 0 : si32} : vector<8x2176xf32>, i32 -> vector<8x2176xf32>
        %slice3A_261 = vector.extract_strided_slice %roll3A_260 {offsets = [0, 0], sizes = [8, 2048], strides = [1, 1]} : vector<8x2176xf32> to vector<8x2048xf32>
        %mul3A_262 = arith.constant 128 : i32
        %mul3A_263 = arith.muli %mul3A_262, %scan3A_19 : i32
        %add3A_264 = arith.constant 120 : i32
        %add3A_265 = arith.addi %mul3A_263, %add3A_264 : i32
        %multiple_of3A_266 = tpu.assume_multiple %add3A_265, 8 : i32
        %swap3A_267 = arith.constant 0 : index
        %swap3A_268 = arith.constant 0 : index
        %swap3A_269 = arith.index_cast %multiple_of3A_266 : i32 to index
        %swap3A_270 = arith.constant 0 : index
        %swap3A_271 = vector.load %arg2[%swap3A_267, %swap3A_268, %swap3A_269, %swap3A_270] : memref<1x1x2048x2048xf32, #tpu.memory_space<vmem>>, vector<1x1x8x2048xf32>
        %swap3A_272 = vector.shape_cast %swap3A_271 : vector<1x1x8x2048xf32> to vector<8x2048xf32>
        %swap3A_273 = vector.shape_cast %slice3A_261 : vector<8x2048xf32> to vector<1x1x8x2048xf32>
        tpu.vector_store %arg2[%swap3A_267, %swap3A_268, %swap3A_269, %swap3A_270], %swap3A_273 {strides = array<i32>} : memref<1x1x2048x2048xf32, #tpu.memory_space<vmem>>, vector<1x1x8x2048xf32>,
      } else {
      }
    }
    %scan3A_18 = arith.constant 16 : i32
    return
  }
  func.func @transform_0(%arg0: i32) -> (i32, i32, i32) {
    %c0_i32 = arith.constant 0 : i32
    %c0_i32_0 = arith.constant 0 : i32
    %c0_i32_1 = arith.constant 0 : i32
    return %arg0, %c0_i32, %c0_i32_0 : i32, i32, i32
  }
  func.func @transform_1(%arg0: i32) -> (i32, i32, i32, i32) {
    %c0_i32 = arith.constant 0 : i32
    %c0_i32_0 = arith.constant 0 : i32
    %c0_i32_1 = arith.constant 0 : i32
    %c0_i32_2 = arith.constant 0 : i32
    return %c0_i32, %arg0, %c0_i32_0, %c0_i32_1 : i32, i32, i32, i32
  }
}

</mosaic_0001>

<sc_bundles>
// kernel: kernel.4.cloned.1.call-start
scs
__scs_entry_jumppad:
0x0: {  	(pc) =	sbr.rel $0x88, $3  }
0x1: {  	(tag) =	ssettag $0x0;
	lr =	simm.s32 $0x1  }
0x2: {  	[smem:$0x3FA0] =	sst lr;
	_ =	strace $0xD0000000  }
0x3: {  	_ = 	snop  }
0x4: {  	_ = 	snop  }
0x5: {  	_ = 	snop  }
0x6: {  	_ = 	snop  }
0x7: {  	_ = 	snop  }
__scs_overlays_trampoline_lowered:
0x8: {  	[smem:$0x3FAF] =	sst s0  }
0x9: {  	[smem:$0x3FB0] =	sst s1  }
0xa: {  	[smem:$0x3FB1] =	sst s2  }
0xb: {  	[smem:$0x3FB2] =	sst s3  }
0xc: {  	[smem:$0x3FB3] =	sst s4  }
0xd: {  	[smem:$0x3FB4] =	sst s5  }
0xe: {  	[smem:$0x3FB5] =	sst s6  }
0xf: {  	[smem:$0x3FB6] =	sst s7  }
0x10: {  	[smem:$0x3FB7] =	sst s8  }
0x11: {  	[smem:$0x3FB8] =	sst s9;
	s0 =	simm.s32 @!p0 $0x0  }
0x12: {  	s1 =	sld [smem:$0x3F9E];
	s0 =	simm.s32 @p0 $0x1  }
0x13: {  	[smem:$0x3FB9] =	sst s0;
	s0 =	simm.s32 @!p1 $0x0  }
0x14: {  	s2 =	sld [smem:$0x3F9D];
	s0 =	simm.s32 @p1 $0x1  }
0x15: {  	[smem:$0x3FBA] =	sst s0;
	s0 =	simm.s32 @!p2 $0x0  }
0x16: {  	s3 =	sld [smem:$0x3FDB];
	s0 =	simm.s32 @p2 $0x1  }
0x17: {  	s4 =	simm.s32 $0x1BF5;
	[smem:$0x3FBC] =	sst s0  }
0x18: {  	s0 =	sld [smem:$0x3F9F];
	_ =	swait.ge [sflag:s4], $0x0  }
0x19: {  	s7 =	sld [smem:$0x3FA0]  }
0x1a: {  	s8 =	sadd.s32 $0xFFFFE003, lr  }
0x1b: {  	s9 =	sadd.s32 $0xFFFFFEF7, lr;
	s5 =	simm.s32 $0xFFFFFFFF;
	p2 =	slt.u32 s8, $0xFFFFF086  }
0x1c: {  	p1 =	slt.u32 s9, $0xF7A;
	s5 =	simm.s32 @!p2 $0x0  }
0x1d: {  	s5 =	simm.s32 @p1 $0x1;
	p0 =	seq.s32 s7, s2  }
0x1e: {  	s7 =	smul.u32 @!p0 $0xF7A, s2;
	p2 =	seq.s32 @!p0 s5, $0x0  }
0x1f: {  	s9 =	smul.u32 $0xF7A, s1;
	s8 =	simm.s32 @!p0 $0x1BF5;
	p2 =	por !p2, p0  }
0x20: {  	[sflag:s8] =	ssyncset.s32 @!p0 $0xFFFFF086;
	s6 =	sadd.s32 @!p0 s3, s7;
	s7 =	simm.s32 @!p0 $0x108  }
0x21: {  	s3 =	sadd.s32 s3, s9;
	s6 =	sadd.s32 @!p0 $0x88, s6;
	s7 =	simm.s32 @p2 $0x1082  }
0x22: {  	[simem:s7], [sflag:s8] =	dma.local @!p0 [hbm:s6], $0xF7A  }
0x23: {  	s9 =	sor.u32 $0xD0000000, s2;
	s6 =	simm.s32 $0x108;
	_ =	swait.ge @!p0 [sflag:s8], $0x0  }
0x24: {  	s3 =	sadd.s32 $0x88, s3;
	s6 =	simm.s32 @!p1 $0x1082;
	[sflag:s4] =	ssyncset.s32 $0xFFFFF086  }
0x25: {  	[simem:s6], [sflag:s4] =	dma.local [hbm:s3], $0xF7A  }
0x26: {  	[smem:$0x3FA0] =	sst s1;
	(tag) =	ssettag s2;
	_ =	strace s9  }
0x27: {  	s1 =	sld [smem:$0x3FB0]  }
0x28: {  	s2 =	sld [smem:$0x3FB1]  }
0x29: {  	s4 =	sld [smem:$0x3FB3]  }
0x2a: {  	p0 =	seq.s32 s5, $0x0;
	s5 =	sld [smem:$0x3FB4]  }
0x2b: {  	s6 =	sld [smem:$0x3FB5]  }
0x2c: {  	s7 =	sld [smem:$0x3FB6]  }
0x2d: {  	s3 =	simm.s32 $0x108;
	s8 =	sld [smem:$0x3FB7]  }
0x2e: {  	s3 =	simm.s32 @!p0 $0x1082;
	s9 =	sld [smem:$0x3FB8]  }
0x2f: {  	lr =	sadd.s32 s0, s3;
	s0 =	sld [smem:$0x3FAF]  }
0x30: {  	s3 =	sld [smem:$0x3FB2]  }
0x31: {  	[smem:$0x3FBB] =	sst s10  }
0x32: {  	s10 =	sld [smem:$0x3FB9];
	_ =	sdelay $0x3  }
0x33: {  	p0 =	seq.s32 s10, $0x1;
	s10 =	sld [smem:$0x3FBB];
	_ =	sdelay $0x3  }
0x34: {  	[smem:$0x3FBB] =	sst s10  }
0x35: {  	s10 =	sld [smem:$0x3FBA];
	_ =	sdelay $0x3  }
0x36: {  	p1 =	seq.s32 s10, $0x1;
	s10 =	sld [smem:$0x3FBB];
	_ =	sdelay $0x3  }
0x37: {  	[smem:$0x3FBB] =	sst s10  }
0x38: {  	s10 =	sld [smem:$0x3FBC]  }
0x39: {  	_ = 	snop;
	(pc) =	sbr.ind lr, $3  }
0x3a: {  	_ = 	snop  }
0x3b: {  	_ = 	snop  }
0x3c: {  	p2 =	seq.s32 s10, $0x1;
	s10 =	sld [smem:$0x3FBB]  }
0x3d: {  	_ =	shalt  }
0x3e: {  	_ =	shalt  }
0x3f: {  	_ =	shalt  }
0x40: {  	_ =	shalt  }
0x41: {  	_ =	shalt  }
0x42: {  	_ =	shalt  }
0x43: {  	_ =	shalt  }
0x44: {  	_ =	shalt  }
0x45: {  	_ =	shalt  }
0x46: {  	_ =	shalt  }
0x47: {  	_ =	shalt  }
0x48: {  	_ =	shalt  }
0x49: {  	_ =	shalt  }
0x4a: {  	_ =	shalt  }
0x4b: {  	_ =	shalt  }
0x4c: {  	_ =	shalt  }
0x4d: {  	_ =	shalt  }
0x4e: {  	_ =	shalt  }
0x4f: {  	_ =	shalt  }
0x50: {  	_ =	shalt  }
0x51: {  	_ =	shalt  }
0x52: {  	_ =	shalt  }
0x53: {  	_ =	shalt  }
0x54: {  	_ =	shalt  }
0x55: {  	_ =	shalt  }
0x56: {  	_ =	shalt  }
0x57: {  	_ =	shalt  }
0x58: {  	_ =	shalt  }
0x59: {  	_ =	shalt  }
0x5a: {  	_ =	shalt  }
0x5b: {  	_ =	shalt  }
0x5c: {  	_ =	shalt  }
0x5d: {  	_ =	shalt  }
0x5e: {  	_ =	shalt  }
0x5f: {  	_ =	shalt  }
0x60: {  	_ =	shalt  }
0x61: {  	_ =	shalt  }
0x62: {  	_ =	shalt  }
0x63: {  	_ =	shalt  }
0x64: {  	_ =	shalt  }
0x65: {  	_ =	shalt  }
0x66: {  	_ =	shalt  }
0x67: {  	_ =	shalt  }
0x68: {  	_ =	shalt  }
0x69: {  	_ =	shalt  }
0x6a: {  	_ =	shalt  }
0x6b: {  	_ =	shalt  }
0x6c: {  	_ =	shalt  }
0x6d: {  	_ =	shalt  }
0x6e: {  	_ =	shalt  }
0x6f: {  	_ =	shalt  }
0x70: {  	_ =	shalt  }
0x71: {  	_ =	shalt  }
0x72: {  	_ =	shalt  }
0x73: {  	_ =	shalt  }
0x74: {  	_ =	shalt  }
0x75: {  	_ =	shalt  }
0x76: {  	_ =	shalt  }
0x77: {  	_ =	shalt  }
0x78: {  	_ =	shalt  }
0x79: {  	_ =	shalt  }
0x7a: {  	_ =	shalt  }
0x7b: {  	_ =	shalt  }
0x7c: {  	_ =	shalt  }
0x7d: {  	_ =	shalt  }
0x7e: {  	_ =	shalt  }
0x7f: {  	_ =	shalt  }
0x80: {  	_ =	shalt  }
0x81: {  	_ =	shalt  }
0x82: {  	_ =	shalt  }
0x83: {  	_ =	shalt  }
0x84: {  	_ =	shalt  }
0x85: {  	_ =	shalt  }
0x86: {  	_ =	shalt  }
0x87: {  	_ =	shalt  }
.Lfunc_end0:
.L_simem_size_0:
called_computation_lowered:
.L_overlay_start_0:
0x88: {  	s2 =	sld [smem:$0x3FD9]  }
0x89: {  	s3 =	sld [smem:$0x3FFE];
	_ =	sdelay $0x1  }
0x8a: {  	s1 =	srdreg.scid  }
0x8b: {  	s0 =	sand.u32 $0x1, s1  }
0x8c: {  	s17 =	sshll.u32 s0, $0xA;
	s2 =	sadd.s32 s3, s2  }
0x8d: {  	s2 =	sadd.s32 s2, s17  }
0x8e: {  	[smem:$0x3FC7] =	sst s2  }
0x8f: {  	_ = 	snop  }
0x90: {  	s2 =	sld [smem:$0x3FD0];
	(tm) =	ssettm $0x1  }
0x91: {  	s18 =	sld [smem:$0x3FFB];
	_ =	sdelay $0x3  }
0x92: {  	_ =	strace s18  }
0x93: {  	s3 =	sld [smem:$0x3FFC];
	_ =	sdelay $0x3  }
0x94: {  	_ =	strace s3  }
0x95: {  	s3 =	sld [smem:$0x3FFD];
	_ =	sdelay $0x3  }
0x96: {  	_ =	strace s3  }
0x97: {  	_ =	strace $0x8FFFFFFF  }
0x98: {  	s19 =	sld [smem:$0x3FDB];
	_ =	sdelay $0x1  }
0x99: {  	s4 =	simm.s32 $_scs_section_size  }
0x9a: {  	s5 =	simm.s32 $_size__tile_overlayer_lowered;
	s6 =	simm.s32 $_tile_overlayer_lowered  }
0x9b: {  	s22 =	simm.s32 $0x1BFF;
	s21 =	sshll.u32 s6, $0x1;
	s3 =	sadd.s32 s4, s19  }
0x9c: {  	s7 =	simm.s32 $0x0;
	s20 =	sshll.u32 s5, $0x1;
	s5 =	sadd.s32 s21, s3  }
0x9d: {  	[timem:s7], [sflag:s22] =	dma.local [hbm:s5], s20  }
0x9e: {  	_ =	swait.ge [sflag:s22], s20  }
0x9f: {  	s4 =	ssub.s32 $0x0, s20;
	[sflag:s22] =	ssyncset.done $0x0  }
0xa0: {  	[sflag:s22] =	ssyncadd.s32 s4;
	_ =	sdelay $0x1  }
0xa1: {  	s23 =	simm.s32 $0x1B8B  }
0xa2: {  	_ =	swait.ge [sflag:s23], $0x1  }
0xa3: {  	[sflag:s23] =	ssyncset.done $0x0  }
0xa4: {  	s25 =	simm.s32 $0x1B8E;
	s24 =	sld [smem:$0x3FFE];
	[sflag:s23] =	ssyncadd.s32 $0xFFFFFFFF  }
0xa5: {  	s26 =	simm.s32 $execute0_lowered;
	[smem:$0x3FD2] =	sst s25  }
0xa6: {  	s5 =	sshll.u32 s26, $0x1;
	_ =	strace $0x80000046;
	[dreg:$0x1] =	wrdreg $0xFFFFFFFF  }
0xa7: {  	s28 =	simm.s32 $_size_execute0_lowered;
	s3 =	sadd.s32 s3, s5;
	[dreg:$0x0] =	wrdreg $0x0  }
0xa8: {  	s5 =	sshll.u32 s28, $0x1;
	[dreg:$0x2] =	wrdreg s3  }
0xa9: {  	[dreg:$0x3] =	wrdreg s5  }
0xaa: {  	[dreg:$0x4] =	wrdreg $0xC0  }
0xab: {  	_ =	task [dreg:s7], $0x5FFFF  }
0xac: {  	[dreg:$0x1] =	wrdreg $0xFFFFFFFF  }
0xad: {  	[dreg:$0x0] =	wrdreg $0x60  }
0xae: {  	[dreg:$0x2] =	wrdreg s2  }
0xaf: {  	[dreg:$0x3] =	wrdreg s24  }
0xb0: {  	[dreg:$0x4] =	wrdreg $0x9  }
0xb1: {  	_ =	task.clear_ibuf [dreg:s7], $0x5FFFF;
	_ =	strace $0x90000046  }
0xb2: {  	s29 =	simm.s32 $0x9;
	_ =	strace $0x80000048  }
0xb3: {  	_ =	swait.ge [sflag:s29], $0x1  }
0xb4: {  	[sflag:s29] =	ssyncadd.s32 $0xFFFFFFFF  }
0xb5: {  	_ =	strace $0x90000048  }
0xb6: {  	_ =	sfence  }
0xb7: {  	s30 =	sld [smem:$0x0];
	_ =	sdelay $0x2  }
0xb8: {  	s31 =	sshll.u32 s1, $0xD;
	s1 =	sshrl.u32 s1, $0x2  }
0xb9: {  	s3 =	sand.u32 $0x4000, s31;
	s1 =	sadd.s32 s1, s30  }
0xba: {  	s0 =	sor.u32 s3, s0;
	s1 =	sshll.u32 s1, $0x11  }
0xbb: {  	s0 =	sor.u32 s1, s0  }
0xbc: {  	s0 =	sadd.s32 $0x8F2B, s0  }
0xbd: {  	[sflag:s0] =	ssyncadd.remote.s32 $0x1  }
0xbe: {  	_ =	sfence.sel $0xFFFF  }
0xbf: {  	[dreg:$0x0] =	wrdreg $0xFFFFFFFF;
	(pc) =	sbr.abs _section_cstart, $3  }
0xc0: {  	[dreg:$0x1] =	wrdreg $0xFFFFFFFF  }
0xc1: {  	_ =	task.clear_ibuf [dreg:s7], $0x2FFFF;
	_ =	strace $0x9FFFFFFF  }
0xc2: {  	(tm) =	ssettm $0x7FFFFFFF  }
0xc3: {  	_ =	shalt  }
tec
execute0_lowered:
.L_overlay_start_1:
0x0: {  	(tag) =	ssettag $0x1  }
0x1: {  	s1 =	srdreg.scid  }
0x2: {  	s0 =	stileid.u32;
	s2 =	rddreg [dreg:$0x0]  }
0x3: {  	s5 =	rddreg [dreg:$0x1];
	s1 =	sand.u32 $0x1, s1;
	s3 =	sshll.u32 s0, $0x1  }
0x4: {  	s4 =	sor.u32 s1, s3;
	s7 =	ssub.s32 $0x2, s1;
	s3 =	simm.s32 $0x0  }
0x5: {  	s6 =	smul.u32 $0x210, s4;
	s8 =	sshrl.u32 s7, $0x1;
	[smem:$0x7FF] =	sst s3  }
0x6: {  	s1 =	rddreg [dreg:$0x2];
	s31 =	ssub.s32 s7, s8;
	_ =	strace $0x80000047  }
0x7: {  	v1 =	vlaneseq.u32;
	v2 =	vimm.s32 $0x8;
	v0 =	vmov s4;
	s7 =	simm.s32 $0x400;
	s8 =	simm.s32 $0x0;
	s5 =	sadd.s32 s6, s5  }
0x8: {  	v3 =	vimm.s32 $0x0;
	v1 =	vadd.s32 $0xFFFFF801, v1;
	v0 =	vbroadcast v0, $0x0;
	s6 =	simm.s32 $0x1;
	s4 =	sadd.s32 $0x400, s5;
	s5 =	smax.u32 s31, $0x1  }
.LBB2_1:
0x9: {  	v4 =	vadd.s32 s3, v1  }
0xa: {  	v5 =	vsub.s32 $0x0, v4  }
0xb: {  	v5 =	vmin.u32 v4, v5  }
0xc: {  	vm0 =	vgt.s32 v5, $0xB;
	vm1 =	vgt.s32 v5, $0xF  }
0xd: {  	vm2 =	vgt.s32 v5, $0x16;
	v6 =	vsel vm0, $0x9, v2;
	v7 =	vsel vm1, $0x1, v3  }
0xe: {  	vm0 =	vgt.s32 v5, $0x1F;
	v6 =	vadd.s32 v7, v6;
	v7 =	vsel vm2, $0x1, v3  }
0xf: {  	v6 =	vadd.s32 v7, v6;
	v7 =	vsel vm0, $0x1, v3;
	vm0 =	vgt.s32 v5, $0x2D  }
0x10: {  	v6 =	vadd.s32 v7, v6;
	v7 =	vsel vm0, $0x1, v3;
	vm0 =	vgt.s32 v5, $0x3F  }
0x11: {  	s9 =	simm.s32 $0x10;
	v6 =	vadd.s32 v7, v6;
	v7 =	vsel vm0, $0x1, v3;
	vm0 =	vgt.s32 v5, $0x5A  }
0x12: {  	v8 =	vadd.s32 s9, v1;
	v6 =	vadd.s32 v7, v6;
	v7 =	vsel vm0, $0x1, v3  }
0x13: {  	v9 =	vsub.s32 $0x0, v8;
	vm0 =	vlt.s32 v5, $0x8;
	v6 =	vadd.s32 v7, v6  }
0x14: {  	v7 =	vmin.u32 v8, v9;
	v5 =	vsel vm0, v5, v6;
	vm0 =	vlt.s32 v3, v4  }
0x15: {  	vm1 =	vgt.s32 v7, $0x16;
	vm2 =	vgt.s32 v7, $0x1F;
	v4 =	vshll.u32 v5, $0x5  }
0x16: {  	vm3 =	vgt.s32 v7, $0xB;
	vm4 =	vgt.s32 v7, $0xF;
	v5 =	vadd.s32 $0x200, v4  }
0x17: {  	v6 =	vsel vm3, $0x9, v2;
	v9 =	vsel vm4, $0x1, v3;
	v4 =	vsel vm0, v5, v4  }
0x18: {  	v5 =	vadd.s32 v9, v6;
	v6 =	vsel vm1, $0x1, v3;
	vm0 =	vgt.s32 v7, $0x2D  }
0x19: {  	v9 =	vor.u32 v0, v4;
	v4 =	vadd.s32 v6, v5;
	v5 =	vsel vm2, $0x1, v3  }
0x1a: {  	v4 =	vadd.s32 v5, v4;
	v5 =	vsel vm0, $0x1, v3;
	vm0 =	vgt.s32 v7, $0x3F  }
0x1b: {  	s30 =	simm.s32 $0x20;
	v5 =	vadd.s32 v5, v4;
	v6 =	vsel vm0, $0x1, v3;
	vm0 =	vgt.s32 v7, $0x5A  }
0x1c: {  	v4 =	vadd.s32 s30, v1;
	v5 =	vadd.s32 v6, v5;
	v6 =	vsel vm0, $0x1, v3  }
0x1d: {  	[tilespmem:s3], [sflag:$0x1] =	stream.linear.gather [hbm4b:s2+s3], $0x400, $0x38;
	v10 =	vsub.s32 $0x0, v4;
	vm0 =	vlt.s32 v7, $0x8;
	v6 =	vadd.s32 v6, v5;
	[tilespmem:$0x1480] =	vst v63  }
0x1e: {  	_ =	swait.ge [sflag:s6], $0x400;
	v5 =	vmin.u32 v4, v10;
	v6 =	vsel vm0, v7, v6;
	vm0 =	vlt.s32 v3, v8  }
0x1f: {  	[sflag:s6] =	ssyncset.done $0x0;
	vm1 =	vgt.s32 v5, $0x16;
	vm2 =	vgt.s32 v5, $0x1F;
	v6 =	vshll.u32 v6, $0x5  }
0x20: {  	[sflag:s6] =	ssyncadd.s32 $0xFFFFFC00;
	vm3 =	vgt.s32 v5, $0xB;
	vm15 =	vgt.s32 v5, $0xF;
	v7 =	vadd.s32 $0x200, v6  }
0x21: {  	v8 =	vld.idx.msk [tilespmem:v9+s3+$0x0], $0xffff;
	v9 =	vsel vm3, $0x9, v2;
	v10 =	vsel vm15, $0x1, v3;
	v6 =	vsel vm0, v7, v6  }
0x22: {  	v7 =	vadd.s32 v10, v9;
	v9 =	vsel vm1, $0x1, v3;
	v6 =	vor.u32 v0, v6  }
0x23: {  	vm0 =	vgt.s32 v5, $0x2D;
	v7 =	vadd.s32 v9, v7;
	v9 =	vsel vm2, $0x1, v3  }
0x24: {  	v7 =	vadd.s32 v9, v7;
	v9 =	vsel vm0, $0x1, v3;
	vm0 =	vgt.s32 v5, $0x3F  }
0x25: {  	s31 =	simm.s32 $0x30;
	v9 =	vadd.s32 v9, v7;
	v10 =	vsel vm0, $0x1, v3;
	vm0 =	vgt.s32 v5, $0x5A  }
0x26: {  	[tilespmem:s7+$0x0] =	vst v8;
	v7 =	vadd.s32 s31, v1;
	v9 =	vadd.s32 v10, v9;
	v10 =	vsel vm0, $0x1, v3  }
0x27: {  	s10 =	simm.s32 $0x40;
	s9 =	simm.s32 $0x400;
	v8 =	vsub.s32 $0x0, v7;
	vm0 =	vlt.s32 v5, $0x8;
	v9 =	vadd.s32 v10, v9;
	v6 =	vld.idx.msk [tilespmem:v6+s3+$0x0], $0xffff  }
.LBB2_2:
0x28: {  	p0 =	sne.s32 s10, $0x1070;
	v9 =	vsel vm0, v5, v9;
	v5 =	vmin.u32 v7, v8;
	vm0 =	vlt.s32 v3, v4;
	v4 =	vmovc v7  }
0x29: {  	vm1 =	vgt.s32 v5, $0x16;
	vm2 =	vgt.s32 v5, $0x1F;
	v7 =	vshll.u32 v9, $0x5  }
0x2a: {  	vm3 =	vgt.s32 v5, $0xB;
	vm4 =	vgt.s32 v5, $0xF;
	v8 =	vadd.s32 $0x200, v7  }
0x2b: {  	v9 =	vsel vm3, $0x9, v2;
	v10 =	vsel vm4, $0x1, v3;
	v7 =	vsel vm0, v8, v7  }
0x2c: {  	s9 =	sadd.s32 $0x10, s9;
	v8 =	vadd.s32 v10, v9;
	v9 =	vsel vm1, $0x1, v3;
	v10 =	vor.u32 v0, v7  }
.Ltmp0:
0x2d: {  	vm0 =	vgt.s32 v5, $0x2D;
	v7 =	vadd.s32 v9, v8;
	v8 =	vsel vm2, $0x1, v3;
	[tilespmem:s9+$0x0] =	vst v6;
	(pc) =	sbr.rel @p0 .LBB2_2-.Ltmp0, $4  }
0x2e: {  	v6 =	vadd.s32 v8, v7;
	v7 =	vsel vm0, $0x1, v3;
	vm0 =	vgt.s32 v5, $0x3F  }
0x2f: {  	v6 =	vadd.s32 v7, v6;
	v8 =	vsel vm0, $0x1, v3;
	vm0 =	vgt.s32 v5, $0x5A  }
0x30: {  	v7 =	vadd.s32 s10, v1;
	v6 =	vadd.s32 v8, v6;
	v9 =	vsel vm0, $0x1, v3  }
0x31: {  	s10 =	sadd.s32 $0x10, s10;
	v8 =	vsub.s32 $0x0, v7;
	vm0 =	vlt.s32 v5, $0x8;
	v9 =	vadd.s32 v9, v6;
	v6 =	vld.idx.msk [tilespmem:v10+s3+$0x0], $0xffff  }
0x32: {  	v8 =	vmin.u32 v7, v8;
	v5 =	vsel vm0, v5, v9  }
0x33: {  	vm10 =	vlt.s32 v3, v4;
	vm1 =	vgt.s32 v8, $0x16;
	vm2 =	vgt.s32 v8, $0x1F  }
0x34: {  	v4 =	vshll.u32 v5, $0x5;
	vm3 =	vgt.s32 v8, $0xB;
	vm4 =	vgt.s32 v8, $0xF  }
0x35: {  	v5 =	vadd.s32 $0x200, v4;
	v57 =	vsel vm3, $0x9, v2;
	v10 =	vsel vm4, $0x1, v3  }
0x36: {  	v58 =	vsel vm1, $0x1, v3;
	v4 =	vsel vm10, v5, v4;
	v5 =	vadd.s32 v10, v57  }
0x37: {  	vm11 =	vgt.s32 v8, $0x2D;
	v59 =	vsel vm2, $0x1, v3;
	v5 =	vadd.s32 v58, v5  }
0x38: {  	vm12 =	vgt.s32 v8, $0x3F;
	v60 =	vsel vm11, $0x1, v3;
	v5 =	vadd.s32 v59, v5  }
0x39: {  	vm13 =	vgt.s32 v8, $0x5A;
	v61 =	vsel vm12, $0x1, v3;
	v5 =	vadd.s32 v60, v5  }
0x3a: {  	v62 =	vsel vm13, $0x1, v3;
	v4 =	vor.u32 v0, v4;
	v5 =	vadd.s32 v61, v5  }
0x3b: {  	vm14 =	vlt.s32 v8, $0x8;
	v5 =	vadd.s32 v62, v5  }
0x3c: {  	v5 =	vsel vm14, v8, v5  }
0x3d: {  	s9 =	sadd.s32 $0x10, s9;
	v5 =	vshll.u32 v5, $0x5  }
0x3e: {  	vm15 =	vlt.s32 v3, v7;
	[tilespmem:s9+$0x0] =	vst v6;
	v63 =	vadd.s32 $0x200, v5  }
0x3f: {  	v4 =	vld.idx.msk [tilespmem:v4+s3+$0x0], $0xffff;
	v5 =	vsel vm15, v63, v5  }
0x40: {  	v5 =	vor.u32 v0, v5;
	_ =	sdelay $0x2  }
0x41: {  	s9 =	sadd.s32 $0x10, s9  }
0x42: {  	[tilespmem:s9+$0x0] =	vst v4  }
0x43: {  	v4 =	vld.idx.msk [tilespmem:v5+s3+$0x0], $0xffff;
	_ =	sdelay $0x2  }
0x44: {  	s8 =	sadd.s32 $0x1, s8  }
0x45: {  	p0 =	sne.s32 s8, s5;
	s9 =	sadd.s32 $0x10, s9  }
.Ltmp1:
0x46: {  	[tilespmem:s9+$0x0] =	vst v4;
	(pc) =	sbr.rel @p0 .LBB2_1-.Ltmp1, $4  }
0x47: {  	[hbm4b:s4+s3] =	stream.linear.scatter [tilespmem:s7], [sflag:$0x1], $0x1080, $0x38;
	[tilespmem:$0x1480] =	vst v63  }
0x48: {  	_ =	swait.ge [sflag:s6], $0x1080  }
0x49: {  	[sflag:s6] =	ssyncset.done $0x0  }
0x4a: {  	[sflag:s6] =	ssyncadd.s32 $0xFFFFEF80  }
0x4b: {  	_ =	sfence.sel $0x180000  }
0x4c: {  	[bflag:$0x0] =	sbarrier.arrive $0xFFFF  }
0x4d: {  	p0 =	sne.s32 s0, $0x0;
	_ =	strace $0x90000047  }
0x4e: {  	s0 =	sadd.s32 @!p0 $0x100000, s1;
	[bflag:$0x2] =	sbarrier.arrive $0xFFFF  }
0x4f: {  	[sflag:s0] =	ssyncadd.tile.s32 @!p0 $0x1;
	_ =	shalt  }
.Lfunc_end2:
_tile_overlayer_lowered:
.L_overlay_start_2:
0x50: {  	(tag) =	ssettag $0x2  }
0x51: {  	s0 =	rddreg [dreg:$0x0];
	s2 =	stileid.u32  }
0x52: {  	s1 =	rddreg [dreg:$0x1];
	p0 =	sne.s32 s2, $0x0  }
0x53: {  	s3 =	rddreg [dreg:$0x2];
	[bflag:$0x3] =	sbarrier.arrive $0xFFFF;
	s2 =	simm.s32 @!p0 $0x1C01  }
0x54: {  	[timem:s3], [sflag:s2] =	dma.local @!p0 [hbm:s0], s1  }
0x55: {  	s0 =	simm.s32 @!p0 $0x1  }
0x56: {  	_ =	swait.ge @!p0 [sflag:s0], s1  }
0x57: {  	s1 =	ssub.s32 @!p0 $0x0, s1;
	[sflag:s0] =	ssyncset.done @!p0 $0x0  }
0x58: {  	[sflag:s0] =	ssyncadd.s32 @!p0 s1  }
0x59: {  	[bflag:$0x3] =	sbarrier.arrive $0xFFFF  }
0x5a: {  	_ =	shalt  }

</sc_bundles>
